<compile_context>
chip_gen: v7x
topology: tpu7x:2x2x1
jax: 0.10.2.dev20260603
libtpu: 0.0.44.dev20260713+nightly
codegen_flags: <defaults>
</compile_context>

<pallas_src>
import functools

import jax
import jax.numpy as jnp
from jax import lax
from jax.experimental import pallas as pl
from jax.experimental.pallas import tpu as pltpu
from jax.experimental.pallas import tpu_sc as plsc


def _leaky(v):
    return jnp.where(v >= 0, v, 0.15 * v)



def _he_body1(ea, w1, b1, he1):
    e = ea[...]
    h1 = jnp.dot(e, w1[...], preferred_element_type=jnp.float32,
                 precision=lax.Precision.HIGHEST) + b1[...]
    he1[...] = _leaky(h1)


def _edge_mlp1(ea, w1t, b1, be=3200):
    E, DE = ea.shape
    H = w1t.shape[1]
    grid = E // be
    return pl.pallas_call(
        _he_body1,
        grid=(grid,),
        in_specs=[
            pl.BlockSpec((be, DE), lambda i: (i, 0)),
            pl.BlockSpec((DE, H), lambda i: (0, 0)),
            pl.BlockSpec((1, H), lambda i: (0, 0)),
        ],
        out_specs=pl.BlockSpec((be, H), lambda i: (i, 0)),
        out_shape=jax.ShapeDtypeStruct((E, H), jnp.float32),
    )(ea, w1t, b1)



def _segsum_one(he, dst, npad, with_deg):
    E, H = he.shape
    ns = 16
    half = npad // 2
    arows = half + 32
    zrt = arows // ns
    wrt = half // ns
    grp = 128
    tg = E // grp
    ng = tg // ns
    xg = tg - ng * ns
    zr = zrt // 2

    mesh = plsc.VectorSubcoreMesh(core_axis_name="c", subcore_axis_name="s")
    out_type = [jax.ShapeDtypeStruct((npad, H), jnp.float32)]
    scratch = [
        pltpu.VMEM(((ng + 1) * grp,), jnp.int32),
        pltpu.VMEM((ng + 1, grp), jnp.int32),
        pltpu.VMEM((grp, H), jnp.float32),
        pltpu.VMEM((zr, H), jnp.float32),
        pltpu.VMEM_SHARED((arows, H), jnp.float32),
    ]
    if with_deg:
        out_type.append(jax.ShapeDtypeStruct((npad,), jnp.float32))
        scratch += [
            pltpu.VMEM((grp,), jnp.float32),
            pltpu.VMEM((640,), jnp.float32),
            pltpu.VMEM_SHARED((half + 128,), jnp.float32),
        ]

    @functools.partial(pl.kernel, out_type=out_type, mesh=mesh,
                       scratch_types=scratch)
    def seg(he_h, dst_h, *refs):
        if with_deg:
            (s_o, deg_o, idx_all, idx2_all, rows_a, zbuf, acc,
             ones1, dz, dacc) = refs
        else:
            (s_o, idx_all, idx2_all, rows_a, zbuf, acc) = refs
        cid = lax.axis_index("c")
        sid = lax.axis_index("s")
        zero16 = jnp.zeros((16,), jnp.float32)
        one16 = jnp.ones((16,), jnp.float32)
        lo_c = cid * half
        gb = sid * ng
        xgrp = ns * ng + sid
        has_x = sid < xg

        def zrow(i, _):
            for k in range(H // 16):
                zbuf[i, pl.ds(k * 16, 16)] = zero16
            return 0
        lax.fori_loop(0, zr, zrow, 0)

        if with_deg:
            def frow(i, _):
                dz[pl.ds(i * 16, 16)] = zero16
                return 0
            lax.fori_loop(0, 640 // 16, frow, 0)

            def orow(i, _):
                ones1[pl.ds(i * 16, 16)] = one16
                return 0
            lax.fori_loop(0, grp // 16, orow, 0)

        ich = (ng // 13) * grp

        def iload(i, _):
            pltpu.sync_copy(dst_h.at[pl.ds(gb * grp + i * ich, ich)],
                            idx_all.at[pl.ds(i * ich, ich)])
            return 0
        lax.fori_loop(0, 13, iload, 0)

        @pl.when(has_x)
        def _():
            pltpu.sync_copy(dst_h.at[pl.ds(xgrp * grp, grp)],
                            idx_all.at[pl.ds(ng * grp, grp)])

        def route(i, _):
            for k in range(grp // 16):
                iv = idx_all[pl.ds(i * grp + k * 16, 16)]
                t = iv - lo_c
                m = (t >= 0) & (t < half)
                idx2_all[i, pl.ds(k * 16, 16)] = jnp.where(
                    m, t, half + (iv & 31))
            return 0
        lax.fori_loop(0, ng + 1, route, 0)

        zbase = sid * zrt
        pltpu.sync_copy(zbuf, acc.at[pl.ds(zbase, zr)])
        pltpu.sync_copy(zbuf, acc.at[pl.ds(zbase + zr, zr)])

        if with_deg:
            @pl.when(sid < half // 640)
            def _():
                pltpu.sync_copy(dz, dacc.at[pl.ds(sid * 640, 640)])

            @pl.when(sid == 8)
            def _():
                pltpu.sync_copy(dz.at[pl.ds(0, 128)],
                                dacc.at[pl.ds(half, 128)])

        plsc.subcore_barrier()

        def body(g, _):
            pltpu.sync_copy(he_h.at[pl.ds((gb + g) * grp, grp)], rows_a)
            pltpu.sync_copy(rows_a, acc.at[idx2_all.at[g]], add=True)
            if with_deg:
                pltpu.sync_copy(ones1, dacc.at[idx2_all.at[g]], add=True)
            return 0

        lax.fori_loop(0, ng, body, 0)

        @pl.when(has_x)
        def _():
            pltpu.sync_copy(he_h.at[pl.ds(xgrp * grp, grp)], rows_a)
            pltpu.sync_copy(rows_a, acc.at[idx2_all.at[ng]], add=True)
            if with_deg:
                pltpu.sync_copy(ones1, dacc.at[idx2_all.at[ng]], add=True)

        plsc.subcore_barrier()

        pltpu.sync_copy(acc.at[pl.ds(sid * wrt, wrt)],
                        s_o.at[pl.ds(lo_c + sid * wrt, wrt)])
        if with_deg:
            @pl.when(sid < half // 640)
            def _():
                pltpu.sync_copy(dacc.at[pl.ds(sid * 640, 640)],
                                deg_o.at[pl.ds(lo_c + sid * 640, 640)])

    return seg(he, dst)



def _node_body(x, s1, s2, deg,
               ew2t1, eb2_1, nwxt1, nwet1, nb1,
               ew2t2, eb2_2, nwxt2, nwet2, nb2,
               muwt, mub, lvwt, lvb, mu, lv):
    def dot(a, b):
        return jnp.dot(a, b[...], preferred_element_type=jnp.float32,
                       precision=lax.Precision.HIGHEST)

    d = deg[...]
    u1 = dot(s1[...], ew2t1) + d * eb2_1[...]
    agg1 = d * dot(x[...], nwxt1) + dot(u1, nwet1) + d * nb1[...]
    h1 = _leaky(agg1)
    u2 = dot(s2[...], ew2t2) + d * eb2_2[...]
    agg2 = d * dot(h1, nwxt2) + dot(u2, nwet2) + d * nb2[...]
    h2 = _leaky(agg2)
    mu[...] = dot(h2, muwt) + mub[...]
    lv[...] = dot(h2, lvwt) + lvb[...]


def _node_stage(x, s1, s2, deg, wts, bn=1000):
    N, D = x.shape
    H = s1.shape[1]
    L = wts["muwt"].shape[1]
    grid = N // bn

    def full(shape):
        return pl.BlockSpec(shape, lambda i: (0, 0))

    return pl.pallas_call(
        _node_body,
        grid=(grid,),
        in_specs=[
            pl.BlockSpec((bn, D), lambda i: (i, 0)),
            pl.BlockSpec((bn, H), lambda i: (i, 0)),
            pl.BlockSpec((bn, H), lambda i: (i, 0)),
            pl.BlockSpec((bn, 1), lambda i: (i, 0)),
            full((H, H)), full((1, H)), full((D, H)), full((H, H)),
            full((1, H)),
            full((H, H)), full((1, H)), full((H, H)), full((H, H)),
            full((1, H)),
            full((H, L)), full((1, L)), full((H, L)), full((1, L)),
        ],
        out_specs=[
            pl.BlockSpec((bn, L), lambda i: (i, 0)),
            pl.BlockSpec((bn, L), lambda i: (i, 0)),
        ],
        out_shape=[
            jax.ShapeDtypeStruct((N, L), jnp.float32),
            jax.ShapeDtypeStruct((N, L), jnp.float32),
        ],
    )(x, s1, s2, deg,
      wts["ew2t1"], wts["eb2_1"], wts["nwxt1"], wts["nwet1"], wts["nb1"],
      wts["ew2t2"], wts["eb2_2"], wts["nwxt2"], wts["nwet2"], wts["nb2"],
      wts["muwt"], wts["mub"], wts["lvwt"], wts["lvb"])



def kernel(x, edge_index, edge_attr,
           c1_ew1, c1_eb1, c1_ew2, c1_eb2, c1_nw, c1_nb,
           c2_ew1, c2_eb1, c2_ew2, c2_eb2, c2_nw, c2_nb,
           mu_w, mu_b, lv_w, lv_b):
    N, D = x.shape
    H = c1_ew1.shape[0]
    dst = edge_index[1].astype(jnp.int32)

    npad = ((N + 2047) // 2048) * 2048
    he1 = _edge_mlp1(edge_attr, c1_ew1.T, c1_eb1[None, :])
    s1f, degf = _segsum_one(he1, dst, npad, True)
    he2 = _edge_mlp1(edge_attr, c2_ew1.T, c2_eb1[None, :])
    (s2f,) = _segsum_one(he2, dst, npad, False)
    s1 = s1f[:N]
    s2 = s2f[:N]
    deg = degf[:N][:, None]

    wts = dict(
        ew2t1=c1_ew2.T, eb2_1=c1_eb2[None, :],
        nwxt1=c1_nw[:, :D].T, nwet1=c1_nw[:, D:].T, nb1=c1_nb[None, :],
        ew2t2=c2_ew2.T, eb2_2=c2_eb2[None, :],
        nwxt2=c2_nw[:, :H].T, nwet2=c2_nw[:, H:].T, nb2=c2_nb[None, :],
        muwt=mu_w.T, mub=mu_b[None, :],
        lvwt=lv_w.T, lvb=lv_b[None, :],
    )
    mu, lv = _node_stage(x, s1, s2, deg, wts)
    return mu, lv

# --- scband reference (transcript-rebuilt; emitter-appended) ---
"""Pipeline reference for scband-edge-vgaeencoder-22110491640015 (READ-ONLY COPY).

The authoritative reference and input builder live on the scoring server;
editing this copy changes nothing except your own understanding.
"""

import jax, jax.numpy as jnp
import numpy as np

N = 10000
E = 320000
D_IN = 128
D_EDGE = 16
HID = 128
LAT = 64


def setup_inputs(seed: int = 0) -> dict:
    key = jax.random.key(seed)
    ks = jax.random.split(key, 20)
    inp = {}
    inp["x"] = jax.random.normal(ks[0], (N, D_IN), dtype=jnp.float32)
    inp["edge_index"] = jax.random.randint(ks[1], (2, E), 0, N)
    inp["edge_attr"] = jax.random.normal(ks[2], (E, D_EDGE), dtype=jnp.float32)
    # conv1: edge_mlp = Linear(D_EDGE,HID) -> LeakyReLU(0.15) -> Linear(HID,HID); node_mlp = Linear(D_IN+HID, HID)
    inp["c1_ew1"] = jax.random.normal(ks[3], (HID, D_EDGE), dtype=jnp.float32) * 0.05
    inp["c1_eb1"] = jnp.zeros((HID,), dtype=jnp.float32)
    inp["c1_ew2"] = jax.random.normal(ks[4], (HID, HID), dtype=jnp.float32) * 0.05
    inp["c1_eb2"] = jnp.zeros((HID,), dtype=jnp.float32)
    inp["c1_nw"] = jax.random.normal(ks[5], (HID, D_IN + HID), dtype=jnp.float32) * 0.05
    inp["c1_nb"] = jnp.zeros((HID,), dtype=jnp.float32)
    # conv2: node_mlp = Linear(HID+HID, HID)
    inp["c2_ew1"] = jax.random.normal(ks[6], (HID, D_EDGE), dtype=jnp.float32) * 0.05
    inp["c2_eb1"] = jnp.zeros((HID,), dtype=jnp.float32)
    inp["c2_ew2"] = jax.random.normal(ks[7], (HID, HID), dtype=jnp.float32) * 0.05
    inp["c2_eb2"] = jnp.zeros((HID,), dtype=jnp.float32)
    inp["c2_nw"] = jax.random.normal(ks[8], (HID, HID + HID), dtype=jnp.float32) * 0.05
    inp["c2_nb"] = jnp.zeros((HID,), dtype=jnp.float32)
    # heads
    inp["mu_w"] = jax.random.normal(ks[9], (LAT, HID), dtype=jnp.float32) * 0.05
    inp["mu_b"] = jnp.zeros((LAT,), dtype=jnp.float32)
    inp["lv_w"] = jax.random.normal(ks[10], (LAT, HID), dtype=jnp.float32) * 0.05
    inp["lv_b"] = jnp.zeros((LAT,), dtype=jnp.float32)
    return inp


def _edge_encoder(x, edge_index, edge_attr, ew1, eb1, ew2, eb2, nw, nb):
    # edge_mlp
    h = edge_attr @ ew1.T + eb1
    h = jax.nn.leaky_relu(h, negative_slope=0.15)
    edge_emb = h @ ew2.T + eb2
    # message: x_i (target node features) concat edge_emb -> node_mlp; aggr='add' at target
    dst = edge_index[1]
    x_i = jnp.take(x, dst, axis=0)
    z = jnp.concatenate([x_i, edge_emb], axis=1)
    msg = z @ nw.T + nb
    return jax.ops.segment_sum(msg, dst, num_segments=x.shape[0])


def reference(x, edge_index, edge_attr, c1_ew1, c1_eb1, c1_ew2, c1_eb2, c1_nw, c1_nb,
              c2_ew1, c2_eb1, c2_ew2, c2_eb2, c2_nw, c2_nb, mu_w, mu_b, lv_w, lv_b):
    # dropout (p=0.05) is identity in eval mode
    h = jax.nn.leaky_relu(
        _edge_encoder(x, edge_index, edge_attr, c1_ew1, c1_eb1, c1_ew2, c1_eb2, c1_nw, c1_nb),
        negative_slope=0.15)
    h = jax.nn.leaky_relu(
        _edge_encoder(h, edge_index, edge_attr, c2_ew1, c2_eb1, c2_ew2, c2_eb2, c2_nw, c2_nb),
        negative_slope=0.15)
    mu = h @ mu_w.T + mu_b
    logvar = h @ lv_w.T + lv_b
    return (mu, logvar)

if __name__ == "__main__":
    import jax
    _d = setup_inputs()
    print(jax.jit(kernel)(*tuple(_d.values())))

</pallas_src>

<mosaic_0001>
#map = affine_map<(d0, d1) -> (0, 0)>
#map1 = affine_map<(d0, d1) -> (0)>
module attributes {stable_mosaic.version = 14 : i64} {
  func.func @seg(%arg0: i32, %arg1: i32, %arg2: memref<320000x128xf32, #tpu.memory_space<hbm>>, %arg3: memref<320000xi32, #tpu.memory_space<hbm>>, %arg4: memref<10240x128xf32, #tpu.memory_space<hbm>>, %arg5: memref<20096xi32, #tpu.memory_space<vmem>>, %arg6: memref<157x128xi32, #tpu.memory_space<vmem>>, %arg7: memref<128x128xf32, #tpu.memory_space<vmem>>, %arg8: memref<161x128xf32, #tpu.memory_space<vmem>>, %arg9: memref<5152x128xf32, #tpu.memory_space<vmem_shared>>) attributes {dimension_semantics = [#tpu.dimension_semantics<core_parallel>, #tpu.dimension_semantics<subcore_parallel>], iteration_bounds = array<i64: 2, 16>, scalar_prefetch = 0 : i64, scratch_operands = 5 : i64, tpu.core_type = #tpu.core_type<sc_vector_subcore>, window_params = [{transform_indices = #map}, {transform_indices = #map1}, {transform_indices = #map}]} {
    %broadcast_in_dim3A = arith.constant 0.000000e+00 : f32
    %broadcast_in_dim3A_0 = vector.broadcast %broadcast_in_dim3A : f32 to vector<16xf32>
    %broadcast_in_dim3A_1 = arith.constant 1.000000e+00 : f32
    %broadcast_in_dim3A_2 = vector.broadcast %broadcast_in_dim3A_1 : f32 to vector<16xf32>
    %mul3A = arith.constant 5120 : i32
    %mul3A_3 = arith.muli %arg0, %mul3A : i32
    %mul3A_4 = arith.constant 156 : i32
    %mul3A_5 = arith.muli %arg1, %mul3A_4 : i32
    %add3A = arith.constant 2496 : i32
    %add3A_6 = arith.addi %add3A, %arg1 : i32
    %lt3A = arith.constant 4 : i32
    %lt3A_7 = arith.cmpi slt, %arg1, %lt3A : i32
    %scan3A = arith.constant 0 : i32
    %scan3A_8 = arith.constant 0 : i32
    %scan3A_9 = arith.constant 161 : i32
    %scan3A_10 = arith.addi %scan3A_8, %scan3A_9 : i32
    %scan3A_11 = arith.constant 1 : i32
    %scan3A_12 = scf.for %scan3A_49 = %scan3A_8 to %scan3A_10 step %scan3A_11 iter_args(%scan3A_50 = %scan3A) -> (i32)  : i32 {
      %swap3A = arith.index_cast %scan3A_49 : i32 to index
      %swap3A_51 = arith.constant 0 : index
      %swap3A_52 = tpu.vector_load %arg8[%swap3A, %swap3A_51] {strides = array<i32>} : memref<161x128xf32, #tpu.memory_space<vmem>>, vector<1x16xf32>,
      %swap3A_53 = vector.shape_cast %swap3A_52 : vector<1x16xf32> to vector<16xf32>
      %swap3A_54 = vector.shape_cast %broadcast_in_dim3A_0 : vector<16xf32> to vector<1x16xf32>
      tpu.vector_store %arg8[%swap3A, %swap3A_51], %swap3A_54 {strides = array<i32>} : memref<161x128xf32, #tpu.memory_space<vmem>>, vector<1x16xf32>,
      %swap3A_55 = arith.index_cast %scan3A_49 : i32 to index
      %swap3A_56 = arith.constant 16 : index
      %swap3A_57 = tpu.vector_load %arg8[%swap3A_55, %swap3A_56] {strides = array<i32>} : memref<161x128xf32, #tpu.memory_space<vmem>>, vector<1x16xf32>,
      %swap3A_58 = vector.shape_cast %swap3A_57 : vector<1x16xf32> to vector<16xf32>
      %swap3A_59 = vector.shape_cast %broadcast_in_dim3A_0 : vector<16xf32> to vector<1x16xf32>
      tpu.vector_store %arg8[%swap3A_55, %swap3A_56], %swap3A_59 {strides = array<i32>} : memref<161x128xf32, #tpu.memory_space<vmem>>, vector<1x16xf32>,
      %swap3A_60 = arith.index_cast %scan3A_49 : i32 to index
      %swap3A_61 = arith.constant 32 : index
      %swap3A_62 = tpu.vector_load %arg8[%swap3A_60, %swap3A_61] {strides = array<i32>} : memref<161x128xf32, #tpu.memory_space<vmem>>, vector<1x16xf32>,
      %swap3A_63 = vector.shape_cast %swap3A_62 : vector<1x16xf32> to vector<16xf32>
      %swap3A_64 = vector.shape_cast %broadcast_in_dim3A_0 : vector<16xf32> to vector<1x16xf32>
      tpu.vector_store %arg8[%swap3A_60, %swap3A_61], %swap3A_64 {strides = array<i32>} : memref<161x128xf32, #tpu.memory_space<vmem>>, vector<1x16xf32>,
      %swap3A_65 = arith.index_cast %scan3A_49 : i32 to index
      %swap3A_66 = arith.constant 48 : index
      %swap3A_67 = tpu.vector_load %arg8[%swap3A_65, %swap3A_66] {strides = array<i32>} : memref<161x128xf32, #tpu.memory_space<vmem>>, vector<1x16xf32>,
      %swap3A_68 = vector.shape_cast %swap3A_67 : vector<1x16xf32> to vector<16xf32>
      %swap3A_69 = vector.shape_cast %broadcast_in_dim3A_0 : vector<16xf32> to vector<1x16xf32>
      tpu.vector_store %arg8[%swap3A_65, %swap3A_66], %swap3A_69 {strides = array<i32>} : memref<161x128xf32, #tpu.memory_space<vmem>>, vector<1x16xf32>,
      %swap3A_70 = arith.index_cast %scan3A_49 : i32 to index
      %swap3A_71 = arith.constant 64 : index
      %swap3A_72 = tpu.vector_load %arg8[%swap3A_70, %swap3A_71] {strides = array<i32>} : memref<161x128xf32, #tpu.memory_space<vmem>>, vector<1x16xf32>,
      %swap3A_73 = vector.shape_cast %swap3A_72 : vector<1x16xf32> to vector<16xf32>
      %swap3A_74 = vector.shape_cast %broadcast_in_dim3A_0 : vector<16xf32> to vector<1x16xf32>
      tpu.vector_store %arg8[%swap3A_70, %swap3A_71], %swap3A_74 {strides = array<i32>} : memref<161x128xf32, #tpu.memory_space<vmem>>, vector<1x16xf32>,
      %swap3A_75 = arith.index_cast %scan3A_49 : i32 to index
      %swap3A_76 = arith.constant 80 : index
      %swap3A_77 = tpu.vector_load %arg8[%swap3A_75, %swap3A_76] {strides = array<i32>} : memref<161x128xf32, #tpu.memory_space<vmem>>, vector<1x16xf32>,
      %swap3A_78 = vector.shape_cast %swap3A_77 : vector<1x16xf32> to vector<16xf32>
      %swap3A_79 = vector.shape_cast %broadcast_in_dim3A_0 : vector<16xf32> to vector<1x16xf32>
      tpu.vector_store %arg8[%swap3A_75, %swap3A_76], %swap3A_79 {strides = array<i32>} : memref<161x128xf32, #tpu.memory_space<vmem>>, vector<1x16xf32>,
      %swap3A_80 = arith.index_cast %scan3A_49 : i32 to index
      %swap3A_81 = arith.constant 96 : index
      %swap3A_82 = tpu.vector_load %arg8[%swap3A_80, %swap3A_81] {strides = array<i32>} : memref<161x128xf32, #tpu.memory_space<vmem>>, vector<1x16xf32>,
      %swap3A_83 = vector.shape_cast %swap3A_82 : vector<1x16xf32> to vector<16xf32>
      %swap3A_84 = vector.shape_cast %broadcast_in_dim3A_0 : vector<16xf32> to vector<1x16xf32>
      tpu.vector_store %arg8[%swap3A_80, %swap3A_81], %swap3A_84 {strides = array<i32>} : memref<161x128xf32, #tpu.memory_space<vmem>>, vector<1x16xf32>,
      %swap3A_85 = arith.index_cast %scan3A_49 : i32 to index
      %swap3A_86 = arith.constant 112 : index
      %swap3A_87 = tpu.vector_load %arg8[%swap3A_85, %swap3A_86] {strides = array<i32>} : memref<161x128xf32, #tpu.memory_space<vmem>>, vector<1x16xf32>,
      %swap3A_88 = vector.shape_cast %swap3A_87 : vector<1x16xf32> to vector<16xf32>
      %swap3A_89 = vector.shape_cast %broadcast_in_dim3A_0 : vector<16xf32> to vector<1x16xf32>
      tpu.vector_store %arg8[%swap3A_85, %swap3A_86], %swap3A_89 {strides = array<i32>} : memref<161x128xf32, #tpu.memory_space<vmem>>, vector<1x16xf32>,
      %scan3A_90 = arith.constant 0 : i32
      scf.yield %scan3A_90 : i32
    }
    %scan3A_13 = arith.constant 161 : i32
    %scan3A_14 = arith.constant 0 : i32
    %scan3A_15 = arith.constant 0 : i32
    %scan3A_16 = arith.constant 13 : i32
    %scan3A_17 = arith.addi %scan3A_15, %scan3A_16 : i32
    %scan3A_18 = arith.constant 1 : i32
    %scan3A_19 = scf.for %scan3A_49 = %scan3A_15 to %scan3A_17 step %scan3A_18 iter_args(%scan3A_50 = %scan3A_14) -> (i32)  : i32 {
      %mul3A_51 = arith.constant 128 : i32
      %mul3A_52 = arith.muli %mul3A_5, %mul3A_51 : i32
      %mul3A_53 = arith.constant 1536 : i32
      %mul3A_54 = arith.muli %scan3A_49, %mul3A_53 : i32
      %add3A_55 = arith.addi %mul3A_52, %mul3A_54 : i32
      %mul3A_56 = arith.constant 1536 : i32
      %mul3A_57 = arith.muli %scan3A_49, %mul3A_56 : i32
      "tpu.region"() ({
        %run_scoped3A = tpu.sem_alloc : memref<!tpu.dma_semaphore, #tpu.memory_space<semaphore_mem>>
        %dma_start3A = tpu.memref_slice %arg5[%mul3A_57] : memref<20096xi32, #tpu.memory_space<vmem>> -> memref<1536xi32, #tpu.memory_space<vmem>>
        %dma_start3A_59 = tpu.memref_slice %arg3[%add3A_55] : memref<320000xi32, #tpu.memory_space<hbm>> -> memref<1536xi32, #tpu.memory_space<hbm>>
        %dma_start3A_60 = tpu.memref_slice %arg5[%mul3A_57] : memref<20096xi32, #tpu.memory_space<vmem>> -> memref<1536xi32, #tpu.memory_space<vmem>>
        %dma_start3A_61 = tpu.memref_slice %arg3[%add3A_55] : memref<320000xi32, #tpu.memory_space<hbm>> -> memref<1536xi32, #tpu.memory_space<hbm>>
        tpu.enqueue_dma source(%dma_start3A_61 : memref<1536xi32, #tpu.memory_space<hbm>>) target(%dma_start3A_60 : memref<1536xi32, #tpu.memory_space<vmem>>) target_semaphore(%run_scoped3A : memref<!tpu.dma_semaphore, #tpu.memory_space<semaphore_mem>>)
        %dma_wait3A = tpu.memref_slice %arg5[%mul3A_57] : memref<20096xi32, #tpu.memory_space<vmem>> -> memref<1536xi32, #tpu.memory_space<vmem>>
        %dma_wait3A_62 = tpu.memref_slice %arg3[%add3A_55] : memref<320000xi32, #tpu.memory_space<hbm>> -> memref<1536xi32, #tpu.memory_space<hbm>>
        %dma_wait3A_63 = tpu.memref_slice %arg5[%mul3A_57] : memref<20096xi32, #tpu.memory_space<vmem>> -> memref<1536xi32, #tpu.memory_space<vmem>>
        %dma_wait3A_64 = tpu.memref_slice %arg3[%add3A_55] : memref<320000xi32, #tpu.memory_space<hbm>> -> memref<1536xi32, #tpu.memory_space<hbm>>
        tpu.wait_dma2 semaphore(%run_scoped3A : memref<!tpu.dma_semaphore, #tpu.memory_space<semaphore_mem>>) src(%dma_wait3A_64 : memref<1536xi32, #tpu.memory_space<hbm>>) dst(%dma_wait3A_63 : memref<1536xi32, #tpu.memory_space<vmem>>)
        tpu.yield
      }) : () -> ()
      %scan3A_58 = arith.constant 0 : i32
      scf.yield %scan3A_58 : i32
    }
    %scan3A_20 = arith.constant 13 : i32
    %convert_element_type3A = arith.extui %lt3A_7 : i1 to i32
    %cond3A = arith.constant 0 : i32
    %cond3A_21 = arith.cmpi ne, %convert_element_type3A, %cond3A : i32
    scf.if %cond3A_21 {
      %mul3A_49 = arith.constant 128 : i32
      %mul3A_50 = arith.muli %add3A_6, %mul3A_49 : i32
      "tpu.region"() ({
        %run_scoped3A = tpu.sem_alloc : memref<!tpu.dma_semaphore, #tpu.memory_space<semaphore_mem>>
        %dma_start3A = arith.constant 19968 : i32
        %dma_start3A_51 = tpu.memref_slice %arg5[%dma_start3A] : memref<20096xi32, #tpu.memory_space<vmem>> -> memref<128xi32, #tpu.memory_space<vmem>>
        %dma_start3A_52 = tpu.memref_slice %arg3[%mul3A_50] : memref<320000xi32, #tpu.memory_space<hbm>> -> memref<128xi32, #tpu.memory_space<hbm>>
        %dma_start3A_53 = arith.constant 19968 : i32
        %dma_start3A_54 = tpu.memref_slice %arg5[%dma_start3A_53] : memref<20096xi32, #tpu.memory_space<vmem>> -> memref<128xi32, #tpu.memory_space<vmem>>
        %dma_start3A_55 = tpu.memref_slice %arg3[%mul3A_50] : memref<320000xi32, #tpu.memory_space<hbm>> -> memref<128xi32, #tpu.memory_space<hbm>>
        tpu.enqueue_dma source(%dma_start3A_55 : memref<128xi32, #tpu.memory_space<hbm>>) target(%dma_start3A_54 : memref<128xi32, #tpu.memory_space<vmem>>) target_semaphore(%run_scoped3A : memref<!tpu.dma_semaphore, #tpu.memory_space<semaphore_mem>>)
        %dma_wait3A = arith.constant 19968 : i32
        %dma_wait3A_56 = tpu.memref_slice %arg5[%dma_wait3A] : memref<20096xi32, #tpu.memory_space<vmem>> -> memref<128xi32, #tpu.memory_space<vmem>>
        %dma_wait3A_57 = tpu.memref_slice %arg3[%mul3A_50] : memref<320000xi32, #tpu.memory_space<hbm>> -> memref<128xi32, #tpu.memory_space<hbm>>
        %dma_wait3A_58 = arith.constant 19968 : i32
        %dma_wait3A_59 = tpu.memref_slice %arg5[%dma_wait3A_58] : memref<20096xi32, #tpu.memory_space<vmem>> -> memref<128xi32, #tpu.memory_space<vmem>>
        %dma_wait3A_60 = tpu.memref_slice %arg3[%mul3A_50] : memref<320000xi32, #tpu.memory_space<hbm>> -> memref<128xi32, #tpu.memory_space<hbm>>
        tpu.wait_dma2 semaphore(%run_scoped3A : memref<!tpu.dma_semaphore, #tpu.memory_space<semaphore_mem>>) src(%dma_wait3A_60 : memref<128xi32, #tpu.memory_space<hbm>>) dst(%dma_wait3A_59 : memref<128xi32, #tpu.memory_space<vmem>>)
        tpu.yield
      }) : () -> ()
    } else {
    }
    %scan3A_22 = arith.constant 0 : i32
    %scan3A_23 = arith.constant 0 : i32
    %scan3A_24 = arith.constant 157 : i32
    %scan3A_25 = arith.addi %scan3A_23, %scan3A_24 : i32
    %scan3A_26 = arith.constant 1 : i32
    %scan3A_27 = scf.for %scan3A_49 = %scan3A_23 to %scan3A_25 step %scan3A_26 iter_args(%scan3A_50 = %scan3A_22) -> (i32)  : i32 {
      %mul3A_51 = arith.constant 128 : i32
      %mul3A_52 = arith.muli %scan3A_49, %mul3A_51 : i32
      %add3A_53 = arith.constant 0 : i32
      %add3A_54 = arith.addi %mul3A_52, %add3A_53 : i32
      %get3A = arith.index_cast %add3A_54 : i32 to index
      %get3A_55 = tpu.vector_load %arg5[%get3A] {strides = array<i32>} : memref<20096xi32, #tpu.memory_space<vmem>>, vector<16xi32>,
      %get3A_56 = vector.shape_cast %get3A_55 : vector<16xi32> to vector<16xi32>
      %sub3A = vector.broadcast %mul3A_3 : i32 to vector<16xi32>
      %sub3A_57 = arith.subi %get3A_56, %sub3A : vector<16xi32>
      %ge3A = arith.constant 0 : i32
      %ge3A_58 = vector.broadcast %ge3A : i32 to vector<16xi32>
      %ge3A_59 = arith.cmpi sge, %sub3A_57, %ge3A_58 : vector<16xi32>
      %lt3A_60 = arith.constant 5120 : i32
      %lt3A_61 = vector.broadcast %lt3A_60 : i32 to vector<16xi32>
      %lt3A_62 = arith.cmpi slt, %sub3A_57, %lt3A_61 : vector<16xi32>
      %and3A = arith.andi %ge3A_59, %lt3A_62 : vector<16xi1>
      %and3A_63 = arith.constant 31 : i32
      %and3A_64 = vector.broadcast %and3A_63 : i32 to vector<16xi32>
      %and3A_65 = arith.andi %get3A_56, %and3A_64 : vector<16xi32>
      %add3A_66 = arith.constant 5120 : i32
      %add3A_67 = vector.broadcast %add3A_66 : i32 to vector<16xi32>
      %add3A_68 = arith.addi %add3A_67, %and3A_65 : vector<16xi32>
      %select_n3A = arith.select %and3A, %sub3A_57, %add3A_68 : vector<16xi1>, vector<16xi32>
      %swap3A = arith.index_cast %scan3A_49 : i32 to index
      %swap3A_69 = arith.constant 0 : index
      %swap3A_70 = tpu.vector_load %arg6[%swap3A, %swap3A_69] {strides = array<i32>} : memref<157x128xi32, #tpu.memory_space<vmem>>, vector<1x16xi32>,
      %swap3A_71 = vector.shape_cast %swap3A_70 : vector<1x16xi32> to vector<16xi32>
      %swap3A_72 = vector.shape_cast %select_n3A : vector<16xi32> to vector<1x16xi32>
      tpu.vector_store %arg6[%swap3A, %swap3A_69], %swap3A_72 {strides = array<i32>} : memref<157x128xi32, #tpu.memory_space<vmem>>, vector<1x16xi32>,
      %mul3A_73 = arith.constant 128 : i32
      %mul3A_74 = arith.muli %scan3A_49, %mul3A_73 : i32
      %add3A_75 = arith.constant 16 : i32
      %add3A_76 = arith.addi %mul3A_74, %add3A_75 : i32
      %get3A_77 = arith.index_cast %add3A_76 : i32 to index
      %get3A_78 = tpu.vector_load %arg5[%get3A_77] {strides = array<i32>} : memref<20096xi32, #tpu.memory_space<vmem>>, vector<16xi32>,
      %get3A_79 = vector.shape_cast %get3A_78 : vector<16xi32> to vector<16xi32>
      %sub3A_80 = vector.broadcast %mul3A_3 : i32 to vector<16xi32>
      %sub3A_81 = arith.subi %get3A_79, %sub3A_80 : vector<16xi32>
      %ge3A_82 = arith.constant 0 : i32
      %ge3A_83 = vector.broadcast %ge3A_82 : i32 to vector<16xi32>
      %ge3A_84 = arith.cmpi sge, %sub3A_81, %ge3A_83 : vector<16xi32>
      %lt3A_85 = arith.constant 5120 : i32
      %lt3A_86 = vector.broadcast %lt3A_85 : i32 to vector<16xi32>
      %lt3A_87 = arith.cmpi slt, %sub3A_81, %lt3A_86 : vector<16xi32>
      %and3A_88 = arith.andi %ge3A_84, %lt3A_87 : vector<16xi1>
      %and3A_89 = arith.constant 31 : i32
      %and3A_90 = vector.broadcast %and3A_89 : i32 to vector<16xi32>
      %and3A_91 = arith.andi %get3A_79, %and3A_90 : vector<16xi32>
      %add3A_92 = arith.constant 5120 : i32
      %add3A_93 = vector.broadcast %add3A_92 : i32 to vector<16xi32>
      %add3A_94 = arith.addi %add3A_93, %and3A_91 : vector<16xi32>
      %select_n3A_95 = arith.select %and3A_88, %sub3A_81, %add3A_94 : vector<16xi1>, vector<16xi32>
      %swap3A_96 = arith.index_cast %scan3A_49 : i32 to index
      %swap3A_97 = arith.constant 16 : index
      %swap3A_98 = tpu.vector_load %arg6[%swap3A_96, %swap3A_97] {strides = array<i32>} : memref<157x128xi32, #tpu.memory_space<vmem>>, vector<1x16xi32>,
      %swap3A_99 = vector.shape_cast %swap3A_98 : vector<1x16xi32> to vector<16xi32>
      %swap3A_100 = vector.shape_cast %select_n3A_95 : vector<16xi32> to vector<1x16xi32>
      tpu.vector_store %arg6[%swap3A_96, %swap3A_97], %swap3A_100 {strides = array<i32>} : memref<157x128xi32, #tpu.memory_space<vmem>>, vector<1x16xi32>,
      %mul3A_101 = arith.constant 128 : i32
      %mul3A_102 = arith.muli %scan3A_49, %mul3A_101 : i32
      %add3A_103 = arith.constant 32 : i32
      %add3A_104 = arith.addi %mul3A_102, %add3A_103 : i32
      %get3A_105 = arith.index_cast %add3A_104 : i32 to index
      %get3A_106 = tpu.vector_load %arg5[%get3A_105] {strides = array<i32>} : memref<20096xi32, #tpu.memory_space<vmem>>, vector<16xi32>,
      %get3A_107 = vector.shape_cast %get3A_106 : vector<16xi32> to vector<16xi32>
      %sub3A_108 = vector.broadcast %mul3A_3 : i32 to vector<16xi32>
      %sub3A_109 = arith.subi %get3A_107, %sub3A_108 : vector<16xi32>
      %ge3A_110 = arith.constant 0 : i32
      %ge3A_111 = vector.broadcast %ge3A_110 : i32 to vector<16xi32>
      %ge3A_112 = arith.cmpi sge, %sub3A_109, %ge3A_111 : vector<16xi32>
      %lt3A_113 = arith.constant 5120 : i32
      %lt3A_114 = vector.broadcast %lt3A_113 : i32 to vector<16xi32>
      %lt3A_115 = arith.cmpi slt, %sub3A_109, %lt3A_114 : vector<16xi32>
      %and3A_116 = arith.andi %ge3A_112, %lt3A_115 : vector<16xi1>
      %and3A_117 = arith.constant 31 : i32
      %and3A_118 = vector.broadcast %and3A_117 : i32 to vector<16xi32>
      %and3A_119 = arith.andi %get3A_107, %and3A_118 : vector<16xi32>
      %add3A_120 = arith.constant 5120 : i32
      %add3A_121 = vector.broadcast %add3A_120 : i32 to vector<16xi32>
      %add3A_122 = arith.addi %add3A_121, %and3A_119 : vector<16xi32>
      %select_n3A_123 = arith.select %and3A_116, %sub3A_109, %add3A_122 : vector<16xi1>, vector<16xi32>
      %swap3A_124 = arith.index_cast %scan3A_49 : i32 to index
      %swap3A_125 = arith.constant 32 : index
      %swap3A_126 = tpu.vector_load %arg6[%swap3A_124, %swap3A_125] {strides = array<i32>} : memref<157x128xi32, #tpu.memory_space<vmem>>, vector<1x16xi32>,
      %swap3A_127 = vector.shape_cast %swap3A_126 : vector<1x16xi32> to vector<16xi32>
      %swap3A_128 = vector.shape_cast %select_n3A_123 : vector<16xi32> to vector<1x16xi32>
      tpu.vector_store %arg6[%swap3A_124, %swap3A_125], %swap3A_128 {strides = array<i32>} : memref<157x128xi32, #tpu.memory_space<vmem>>, vector<1x16xi32>,
      %mul3A_129 = arith.constant 128 : i32
      %mul3A_130 = arith.muli %scan3A_49, %mul3A_129 : i32
      %add3A_131 = arith.constant 48 : i32
      %add3A_132 = arith.addi %mul3A_130, %add3A_131 : i32
      %get3A_133 = arith.index_cast %add3A_132 : i32 to index
      %get3A_134 = tpu.vector_load %arg5[%get3A_133] {strides = array<i32>} : memref<20096xi32, #tpu.memory_space<vmem>>, vector<16xi32>,
      %get3A_135 = vector.shape_cast %get3A_134 : vector<16xi32> to vector<16xi32>
      %sub3A_136 = vector.broadcast %mul3A_3 : i32 to vector<16xi32>
      %sub3A_137 = arith.subi %get3A_135, %sub3A_136 : vector<16xi32>
      %ge3A_138 = arith.constant 0 : i32
      %ge3A_139 = vector.broadcast %ge3A_138 : i32 to vector<16xi32>
      %ge3A_140 = arith.cmpi sge, %sub3A_137, %ge3A_139 : vector<16xi32>
      %lt3A_141 = arith.constant 5120 : i32
      %lt3A_142 = vector.broadcast %lt3A_141 : i32 to vector<16xi32>
      %lt3A_143 = arith.cmpi slt, %sub3A_137, %lt3A_142 : vector<16xi32>
      %and3A_144 = arith.andi %ge3A_140, %lt3A_143 : vector<16xi1>
      %and3A_145 = arith.constant 31 : i32
      %and3A_146 = vector.broadcast %and3A_145 : i32 to vector<16xi32>
      %and3A_147 = arith.andi %get3A_135, %and3A_146 : vector<16xi32>
      %add3A_148 = arith.constant 5120 : i32
      %add3A_149 = vector.broadcast %add3A_148 : i32 to vector<16xi32>
      %add3A_150 = arith.addi %add3A_149, %and3A_147 : vector<16xi32>
      %select_n3A_151 = arith.select %and3A_144, %sub3A_137, %add3A_150 : vector<16xi1>, vector<16xi32>
      %swap3A_152 = arith.index_cast %scan3A_49 : i32 to index
      %swap3A_153 = arith.constant 48 : index
      %swap3A_154 = tpu.vector_load %arg6[%swap3A_152, %swap3A_153] {strides = array<i32>} : memref<157x128xi32, #tpu.memory_space<vmem>>, vector<1x16xi32>,
      %swap3A_155 = vector.shape_cast %swap3A_154 : vector<1x16xi32> to vector<16xi32>
      %swap3A_156 = vector.shape_cast %select_n3A_151 : vector<16xi32> to vector<1x16xi32>
      tpu.vector_store %arg6[%swap3A_152, %swap3A_153], %swap3A_156 {strides = array<i32>} : memref<157x128xi32, #tpu.memory_space<vmem>>, vector<1x16xi32>,
      %mul3A_157 = arith.constant 128 : i32
      %mul3A_158 = arith.muli %scan3A_49, %mul3A_157 : i32
      %add3A_159 = arith.constant 64 : i32
      %add3A_160 = arith.addi %mul3A_158, %add3A_159 : i32
      %get3A_161 = arith.index_cast %add3A_160 : i32 to index
      %get3A_162 = tpu.vector_load %arg5[%get3A_161] {strides = array<i32>} : memref<20096xi32, #tpu.memory_space<vmem>>, vector<16xi32>,
      %get3A_163 = vector.shape_cast %get3A_162 : vector<16xi32> to vector<16xi32>
      %sub3A_164 = vector.broadcast %mul3A_3 : i32 to vector<16xi32>
      %sub3A_165 = arith.subi %get3A_163, %sub3A_164 : vector<16xi32>
      %ge3A_166 = arith.constant 0 : i32
      %ge3A_167 = vector.broadcast %ge3A_166 : i32 to vector<16xi32>
      %ge3A_168 = arith.cmpi sge, %sub3A_165, %ge3A_167 : vector<16xi32>
      %lt3A_169 = arith.constant 5120 : i32
      %lt3A_170 = vector.broadcast %lt3A_169 : i32 to vector<16xi32>
      %lt3A_171 = arith.cmpi slt, %sub3A_165, %lt3A_170 : vector<16xi32>
      %and3A_172 = arith.andi %ge3A_168, %lt3A_171 : vector<16xi1>
      %and3A_173 = arith.constant 31 : i32
      %and3A_174 = vector.broadcast %and3A_173 : i32 to vector<16xi32>
      %and3A_175 = arith.andi %get3A_163, %and3A_174 : vector<16xi32>
      %add3A_176 = arith.constant 5120 : i32
      %add3A_177 = vector.broadcast %add3A_176 : i32 to vector<16xi32>
      %add3A_178 = arith.addi %add3A_177, %and3A_175 : vector<16xi32>
      %select_n3A_179 = arith.select %and3A_172, %sub3A_165, %add3A_178 : vector<16xi1>, vector<16xi32>
      %swap3A_180 = arith.index_cast %scan3A_49 : i32 to index
      %swap3A_181 = arith.constant 64 : index
      %swap3A_182 = tpu.vector_load %arg6[%swap3A_180, %swap3A_181] {strides = array<i32>} : memref<157x128xi32, #tpu.memory_space<vmem>>, vector<1x16xi32>,
      %swap3A_183 = vector.shape_cast %swap3A_182 : vector<1x16xi32> to vector<16xi32>
      %swap3A_184 = vector.shape_cast %select_n3A_179 : vector<16xi32> to vector<1x16xi32>
      tpu.vector_store %arg6[%swap3A_180, %swap3A_181], %swap3A_184 {strides = array<i32>} : memref<157x128xi32, #tpu.memory_space<vmem>>, vector<1x16xi32>,
      %mul3A_185 = arith.constant 128 : i32
      %mul3A_186 = arith.muli %scan3A_49, %mul3A_185 : i32
      %add3A_187 = arith.constant 80 : i32
      %add3A_188 = arith.addi %mul3A_186, %add3A_187 : i32
      %get3A_189 = arith.index_cast %add3A_188 : i32 to index
      %get3A_190 = tpu.vector_load %arg5[%get3A_189] {strides = array<i32>} : memref<20096xi32, #tpu.memory_space<vmem>>, vector<16xi32>,
      %get3A_191 = vector.shape_cast %get3A_190 : vector<16xi32> to vector<16xi32>
      %sub3A_192 = vector.broadcast %mul3A_3 : i32 to vector<16xi32>
      %sub3A_193 = arith.subi %get3A_191, %sub3A_192 : vector<16xi32>
      %ge3A_194 = arith.constant 0 : i32
      %ge3A_195 = vector.broadcast %ge3A_194 : i32 to vector<16xi32>
      %ge3A_196 = arith.cmpi sge, %sub3A_193, %ge3A_195 : vector<16xi32>
      %lt3A_197 = arith.constant 5120 : i32
      %lt3A_198 = vector.broadcast %lt3A_197 : i32 to vector<16xi32>
      %lt3A_199 = arith.cmpi slt, %sub3A_193, %lt3A_198 : vector<16xi32>
      %and3A_200 = arith.andi %ge3A_196, %lt3A_199 : vector<16xi1>
      %and3A_201 = arith.constant 31 : i32
      %and3A_202 = vector.broadcast %and3A_201 : i32 to vector<16xi32>
      %and3A_203 = arith.andi %get3A_191, %and3A_202 : vector<16xi32>
      %add3A_204 = arith.constant 5120 : i32
      %add3A_205 = vector.broadcast %add3A_204 : i32 to vector<16xi32>
      %add3A_206 = arith.addi %add3A_205, %and3A_203 : vector<16xi32>
      %select_n3A_207 = arith.select %and3A_200, %sub3A_193, %add3A_206 : vector<16xi1>, vector<16xi32>
      %swap3A_208 = arith.index_cast %scan3A_49 : i32 to index
      %swap3A_209 = arith.constant 80 : index
      %swap3A_210 = tpu.vector_load %arg6[%swap3A_208, %swap3A_209] {strides = array<i32>} : memref<157x128xi32, #tpu.memory_space<vmem>>, vector<1x16xi32>,
      %swap3A_211 = vector.shape_cast %swap3A_210 : vector<1x16xi32> to vector<16xi32>
      %swap3A_212 = vector.shape_cast %select_n3A_207 : vector<16xi32> to vector<1x16xi32>
      tpu.vector_store %arg6[%swap3A_208, %swap3A_209], %swap3A_212 {strides = array<i32>} : memref<157x128xi32, #tpu.memory_space<vmem>>, vector<1x16xi32>,
      %mul3A_213 = arith.constant 128 : i32
      %mul3A_214 = arith.muli %scan3A_49, %mul3A_213 : i32
      %add3A_215 = arith.constant 96 : i32
      %add3A_216 = arith.addi %mul3A_214, %add3A_215 : i32
      %get3A_217 = arith.index_cast %add3A_216 : i32 to index
      %get3A_218 = tpu.vector_load %arg5[%get3A_217] {strides = array<i32>} : memref<20096xi32, #tpu.memory_space<vmem>>, vector<16xi32>,
      %get3A_219 = vector.shape_cast %get3A_218 : vector<16xi32> to vector<16xi32>
      %sub3A_220 = vector.broadcast %mul3A_3 : i32 to vector<16xi32>
      %sub3A_221 = arith.subi %get3A_219, %sub3A_220 : vector<16xi32>
      %ge3A_222 = arith.constant 0 : i32
      %ge3A_223 = vector.broadcast %ge3A_222 : i32 to vector<16xi32>
      %ge3A_224 = arith.cmpi sge, %sub3A_221, %ge3A_223 : vector<16xi32>
      %lt3A_225 = arith.constant 5120 : i32
      %lt3A_226 = vector.broadcast %lt3A_225 : i32 to vector<16xi32>
      %lt3A_227 = arith.cmpi slt, %sub3A_221, %lt3A_226 : vector<16xi32>
      %and3A_228 = arith.andi %ge3A_224, %lt3A_227 : vector<16xi1>
      %and3A_229 = arith.constant 31 : i32
      %and3A_230 = vector.broadcast %and3A_229 : i32 to vector<16xi32>
      %and3A_231 = arith.andi %get3A_219, %and3A_230 : vector<16xi32>
      %add3A_232 = arith.constant 5120 : i32
      %add3A_233 = vector.broadcast %add3A_232 : i32 to vector<16xi32>
      %add3A_234 = arith.addi %add3A_233, %and3A_231 : vector<16xi32>
      %select_n3A_235 = arith.select %and3A_228, %sub3A_221, %add3A_234 : vector<16xi1>, vector<16xi32>
      %swap3A_236 = arith.index_cast %scan3A_49 : i32 to index
      %swap3A_237 = arith.constant 96 : index
      %swap3A_238 = tpu.vector_load %arg6[%swap3A_236, %swap3A_237] {strides = array<i32>} : memref<157x128xi32, #tpu.memory_space<vmem>>, vector<1x16xi32>,
      %swap3A_239 = vector.shape_cast %swap3A_238 : vector<1x16xi32> to vector<16xi32>
      %swap3A_240 = vector.shape_cast %select_n3A_235 : vector<16xi32> to vector<1x16xi32>
      tpu.vector_store %arg6[%swap3A_236, %swap3A_237], %swap3A_240 {strides = array<i32>} : memref<157x128xi32, #tpu.memory_space<vmem>>, vector<1x16xi32>,
      %mul3A_241 = arith.constant 128 : i32
      %mul3A_242 = arith.muli %scan3A_49, %mul3A_241 : i32
      %add3A_243 = arith.constant 112 : i32
      %add3A_244 = arith.addi %mul3A_242, %add3A_243 : i32
      %get3A_245 = arith.index_cast %add3A_244 : i32 to index
      %get3A_246 = tpu.vector_load %arg5[%get3A_245] {strides = array<i32>} : memref<20096xi32, #tpu.memory_space<vmem>>, vector<16xi32>,
      %get3A_247 = vector.shape_cast %get3A_246 : vector<16xi32> to vector<16xi32>
      %sub3A_248 = vector.broadcast %mul3A_3 : i32 to vector<16xi32>
      %sub3A_249 = arith.subi %get3A_247, %sub3A_248 : vector<16xi32>
      %ge3A_250 = arith.constant 0 : i32
      %ge3A_251 = vector.broadcast %ge3A_250 : i32 to vector<16xi32>
      %ge3A_252 = arith.cmpi sge, %sub3A_249, %ge3A_251 : vector<16xi32>
      %lt3A_253 = arith.constant 5120 : i32
      %lt3A_254 = vector.broadcast %lt3A_253 : i32 to vector<16xi32>
      %lt3A_255 = arith.cmpi slt, %sub3A_249, %lt3A_254 : vector<16xi32>
      %and3A_256 = arith.andi %ge3A_252, %lt3A_255 : vector<16xi1>
      %and3A_257 = arith.constant 31 : i32
      %and3A_258 = vector.broadcast %and3A_257 : i32 to vector<16xi32>
      %and3A_259 = arith.andi %get3A_247, %and3A_258 : vector<16xi32>
      %add3A_260 = arith.constant 5120 : i32
      %add3A_261 = vector.broadcast %add3A_260 : i32 to vector<16xi32>
      %add3A_262 = arith.addi %add3A_261, %and3A_259 : vector<16xi32>
      %select_n3A_263 = arith.select %and3A_256, %sub3A_249, %add3A_262 : vector<16xi1>, vector<16xi32>
      %swap3A_264 = arith.index_cast %scan3A_49 : i32 to index
      %swap3A_265 = arith.constant 112 : index
      %swap3A_266 = tpu.vector_load %arg6[%swap3A_264, %swap3A_265] {strides = array<i32>} : memref<157x128xi32, #tpu.memory_space<vmem>>, vector<1x16xi32>,
      %swap3A_267 = vector.shape_cast %swap3A_266 : vector<1x16xi32> to vector<16xi32>
      %swap3A_268 = vector.shape_cast %select_n3A_263 : vector<16xi32> to vector<1x16xi32>
      tpu.vector_store %arg6[%swap3A_264, %swap3A_265], %swap3A_268 {strides = array<i32>} : memref<157x128xi32, #tpu.memory_space<vmem>>, vector<1x16xi32>,
      %scan3A_269 = arith.constant 0 : i32
      scf.yield %scan3A_269 : i32
    }
    %scan3A_28 = arith.constant 157 : i32
    %mul3A_29 = arith.constant 322 : i32
    %mul3A_30 = arith.muli %arg1, %mul3A_29 : i32
    "tpu.region"() ({
      %run_scoped3A = tpu.sem_alloc : memref<!tpu.dma_semaphore, #tpu.memory_space<semaphore_mem>>
      %dma_start3A = arith.constant 0 : i32
      %dma_start3A_49 = tpu.memref_slice %arg9[%mul3A_30, %dma_start3A] : memref<5152x128xf32, #tpu.memory_space<vmem_shared>> -> memref<161x128xf32, #tpu.memory_space<vmem_shared>>
      %dma_start3A_50 = arith.constant 0 : i32
      %dma_start3A_51 = tpu.memref_slice %arg9[%mul3A_30, %dma_start3A_50] : memref<5152x128xf32, #tpu.memory_space<vmem_shared>> -> memref<161x128xf32, #tpu.memory_space<vmem_shared>>
      tpu.enqueue_dma source(%arg8 : memref<161x128xf32, #tpu.memory_space<vmem>>) target(%dma_start3A_51 : memref<161x128xf32, #tpu.memory_space<vmem_shared>>) target_semaphore(%run_scoped3A : memref<!tpu.dma_semaphore, #tpu.memory_space<semaphore_mem>>)
      %dma_wait3A = arith.constant 0 : i32
      %dma_wait3A_52 = tpu.memref_slice %arg9[%mul3A_30, %dma_wait3A] : memref<5152x128xf32, #tpu.memory_space<vmem_shared>> -> memref<161x128xf32, #tpu.memory_space<vmem_shared>>
      %dma_wait3A_53 = arith.constant 0 : i32
      %dma_wait3A_54 = tpu.memref_slice %arg9[%mul3A_30, %dma_wait3A_53] : memref<5152x128xf32, #tpu.memory_space<vmem_shared>> -> memref<161x128xf32, #tpu.memory_space<vmem_shared>>
      tpu.wait_dma2 semaphore(%run_scoped3A : memref<!tpu.dma_semaphore, #tpu.memory_space<semaphore_mem>>) src(%arg8 : memref<161x128xf32, #tpu.memory_space<vmem>>) dst(%dma_wait3A_54 : memref<161x128xf32, #tpu.memory_space<vmem_shared>>)
      tpu.yield
    }) : () -> ()
    %add3A_31 = arith.constant 161 : i32
    %add3A_32 = arith.addi %mul3A_30, %add3A_31 : i32
    "tpu.region"() ({
      %run_scoped3A = tpu.sem_alloc : memref<!tpu.dma_semaphore, #tpu.memory_space<semaphore_mem>>
      %dma_start3A = arith.constant 0 : i32
      %dma_start3A_49 = tpu.memref_slice %arg9[%add3A_32, %dma_start3A] : memref<5152x128xf32, #tpu.memory_space<vmem_shared>> -> memref<161x128xf32, #tpu.memory_space<vmem_shared>>
      %dma_start3A_50 = arith.constant 0 : i32
      %dma_start3A_51 = tpu.memref_slice %arg9[%add3A_32, %dma_start3A_50] : memref<5152x128xf32, #tpu.memory_space<vmem_shared>> -> memref<161x128xf32, #tpu.memory_space<vmem_shared>>
      tpu.enqueue_dma source(%arg8 : memref<161x128xf32, #tpu.memory_space<vmem>>) target(%dma_start3A_51 : memref<161x128xf32, #tpu.memory_space<vmem_shared>>) target_semaphore(%run_scoped3A : memref<!tpu.dma_semaphore, #tpu.memory_space<semaphore_mem>>)
      %dma_wait3A = arith.constant 0 : i32
      %dma_wait3A_52 = tpu.memref_slice %arg9[%add3A_32, %dma_wait3A] : memref<5152x128xf32, #tpu.memory_space<vmem_shared>> -> memref<161x128xf32, #tpu.memory_space<vmem_shared>>
      %dma_wait3A_53 = arith.constant 0 : i32
      %dma_wait3A_54 = tpu.memref_slice %arg9[%add3A_32, %dma_wait3A_53] : memref<5152x128xf32, #tpu.memory_space<vmem_shared>> -> memref<161x128xf32, #tpu.memory_space<vmem_shared>>
      tpu.wait_dma2 semaphore(%run_scoped3A : memref<!tpu.dma_semaphore, #tpu.memory_space<semaphore_mem>>) src(%arg8 : memref<161x128xf32, #tpu.memory_space<vmem>>) dst(%dma_wait3A_54 : memref<161x128xf32, #tpu.memory_space<vmem_shared>>)
      tpu.yield
    }) : () -> ()
    %barrier3A = arith.constant 0 : index
    tpu.barrier barrier_id(%barrier3A)
    %scan3A_33 = arith.constant 0 : i32
    %scan3A_34 = arith.constant 0 : i32
    %scan3A_35 = arith.constant 156 : i32
    %scan3A_36 = arith.addi %scan3A_34, %scan3A_35 : i32
    %scan3A_37 = arith.constant 1 : i32
    %scan3A_38 = scf.for %scan3A_49 = %scan3A_34 to %scan3A_36 step %scan3A_37 iter_args(%scan3A_50 = %scan3A_33) -> (i32)  : i32 {
      %add3A_51 = arith.addi %mul3A_5, %scan3A_49 : i32
      %mul3A_52 = arith.constant 128 : i32
      %mul3A_53 = arith.muli %add3A_51, %mul3A_52 : i32
      "tpu.region"() ({
        %run_scoped3A = tpu.sem_alloc : memref<!tpu.dma_semaphore, #tpu.memory_space<semaphore_mem>>
        %dma_start3A = arith.constant 0 : i32
        %dma_start3A_55 = tpu.memref_slice %arg2[%mul3A_53, %dma_start3A] : memref<320000x128xf32, #tpu.memory_space<hbm>> -> memref<128x128xf32, #tpu.memory_space<hbm>>
        %dma_start3A_56 = arith.constant 0 : i32
        %dma_start3A_57 = tpu.memref_slice %arg2[%mul3A_53, %dma_start3A_56] : memref<320000x128xf32, #tpu.memory_space<hbm>> -> memref<128x128xf32, #tpu.memory_space<hbm>>
        tpu.enqueue_dma source(%dma_start3A_57 : memref<128x128xf32, #tpu.memory_space<hbm>>) target(%arg7 : memref<128x128xf32, #tpu.memory_space<vmem>>) target_semaphore(%run_scoped3A : memref<!tpu.dma_semaphore, #tpu.memory_space<semaphore_mem>>)
        %dma_wait3A = arith.constant 0 : i32
        %dma_wait3A_58 = tpu.memref_slice %arg2[%mul3A_53, %dma_wait3A] : memref<320000x128xf32, #tpu.memory_space<hbm>> -> memref<128x128xf32, #tpu.memory_space<hbm>>
        %dma_wait3A_59 = arith.constant 0 : i32
        %dma_wait3A_60 = tpu.memref_slice %arg2[%mul3A_53, %dma_wait3A_59] : memref<320000x128xf32, #tpu.memory_space<hbm>> -> memref<128x128xf32, #tpu.memory_space<hbm>>
        tpu.wait_dma2 semaphore(%run_scoped3A : memref<!tpu.dma_semaphore, #tpu.memory_space<semaphore_mem>>) src(%dma_wait3A_60 : memref<128x128xf32, #tpu.memory_space<hbm>>) dst(%arg7 : memref<128x128xf32, #tpu.memory_space<vmem>>)
        tpu.yield
      }) : () -> ()
      "tpu.region"() ({
        %run_scoped3A = tpu.sem_alloc : memref<!tpu.dma_semaphore, #tpu.memory_space<semaphore_mem>>
        %dma_start3A = arith.constant 0 : i32
        %dma_start3A_55 = tpu.memref_slice %arg6[%scan3A_49, %dma_start3A] : memref<157x128xi32, #tpu.memory_space<vmem>> -> memref<1x128xi32, #tpu.memory_space<vmem>>
        %dma_start3A_56 = tpu.memref_squeeze %dma_start3A_55 : memref<1x128xi32, #tpu.memory_space<vmem>> -> memref<128xi32, #tpu.memory_space<vmem>>
        %dma_start3A_57 = arith.constant 0 : i32
        %dma_start3A_58 = arith.constant 0 : i32
        %dma_start3A_59 = tpu.memref_slice %arg9[%dma_start3A_57, %dma_start3A_58] : memref<5152x128xf32, #tpu.memory_space<vmem_shared>> -> memref<5152x128xf32, #tpu.memory_space<vmem_shared>>
        tpu.enqueue_indirect_dma source(%arg7 : memref<128x128xf32, #tpu.memory_space<vmem>>) target(%dma_start3A_59 : memref<5152x128xf32, #tpu.memory_space<vmem_shared>>) offsets(%dma_start3A_56 : memref<128xi32, #tpu.memory_space<vmem>>) semaphore(%run_scoped3A : memref<!tpu.dma_semaphore, #tpu.memory_space<semaphore_mem>>) {add = true}
        %dma_wait3A = arith.constant 0 : i32
        %dma_wait3A_60 = tpu.memref_slice %arg6[%scan3A_49, %dma_wait3A] : memref<157x128xi32, #tpu.memory_space<vmem>> -> memref<1x128xi32, #tpu.memory_space<vmem>>
        %dma_wait3A_61 = tpu.memref_squeeze %dma_wait3A_60 : memref<1x128xi32, #tpu.memory_space<vmem>> -> memref<128xi32, #tpu.memory_space<vmem>>
        %dma_wait3A_62 = arith.constant 0 : i32
        %dma_wait3A_63 = arith.constant 0 : i32
        %dma_wait3A_64 = tpu.memref_slice %arg9[%dma_wait3A_62, %dma_wait3A_63] : memref<5152x128xf32, #tpu.memory_space<vmem_shared>> -> memref<5152x128xf32, #tpu.memory_space<vmem_shared>>
        tpu.wait_indirect_dma semaphore(%run_scoped3A : memref<!tpu.dma_semaphore, #tpu.memory_space<semaphore_mem>>) src(%arg7 : memref<128x128xf32, #tpu.memory_space<vmem>>) dst(%dma_wait3A_64 : memref<5152x128xf32, #tpu.memory_space<vmem_shared>>)
        tpu.yield
      }) : () -> ()
      %scan3A_54 = arith.constant 0 : i32
      scf.yield %scan3A_54 : i32
    }
    %scan3A_39 = arith.constant 156 : i32
    %convert_element_type3A_40 = arith.extui %lt3A_7 : i1 to i32
    %cond3A_41 = arith.constant 0 : i32
    %cond3A_42 = arith.cmpi ne, %convert_element_type3A_40, %cond3A_41 : i32
    scf.if %cond3A_42 {
      %mul3A_49 = arith.constant 128 : i32
      %mul3A_50 = arith.muli %add3A_6, %mul3A_49 : i32
      "tpu.region"() ({
        %run_scoped3A_51 = tpu.sem_alloc : memref<!tpu.dma_semaphore, #tpu.memory_space<semaphore_mem>>
        %dma_start3A = arith.constant 0 : i32
        %dma_start3A_52 = tpu.memref_slice %arg2[%mul3A_50, %dma_start3A] : memref<320000x128xf32, #tpu.memory_space<hbm>> -> memref<128x128xf32, #tpu.memory_space<hbm>>
        %dma_start3A_53 = arith.constant 0 : i32
        %dma_start3A_54 = tpu.memref_slice %arg2[%mul3A_50, %dma_start3A_53] : memref<320000x128xf32, #tpu.memory_space<hbm>> -> memref<128x128xf32, #tpu.memory_space<hbm>>
        tpu.enqueue_dma source(%dma_start3A_54 : memref<128x128xf32, #tpu.memory_space<hbm>>) target(%arg7 : memref<128x128xf32, #tpu.memory_space<vmem>>) target_semaphore(%run_scoped3A_51 : memref<!tpu.dma_semaphore, #tpu.memory_space<semaphore_mem>>)
        %dma_wait3A = arith.constant 0 : i32
        %dma_wait3A_55 = tpu.memref_slice %arg2[%mul3A_50, %dma_wait3A] : memref<320000x128xf32, #tpu.memory_space<hbm>> -> memref<128x128xf32, #tpu.memory_space<hbm>>
        %dma_wait3A_56 = arith.constant 0 : i32
        %dma_wait3A_57 = tpu.memref_slice %arg2[%mul3A_50, %dma_wait3A_56] : memref<320000x128xf32, #tpu.memory_space<hbm>> -> memref<128x128xf32, #tpu.memory_space<hbm>>
        tpu.wait_dma2 semaphore(%run_scoped3A_51 : memref<!tpu.dma_semaphore, #tpu.memory_space<semaphore_mem>>) src(%dma_wait3A_57 : memref<128x128xf32, #tpu.memory_space<hbm>>) dst(%arg7 : memref<128x128xf32, #tpu.memory_space<vmem>>)
        tpu.yield
      }) : () -> ()
      %run_scoped3A = arith.constant 156 : i32
      "tpu.region"() ({
        %run_scoped3A_51 = tpu.sem_alloc : memref<!tpu.dma_semaphore, #tpu.memory_space<semaphore_mem>>
        %dma_start3A = arith.constant 0 : i32
        %dma_start3A_52 = tpu.memref_slice %arg6[%run_scoped3A, %dma_start3A] : memref<157x128xi32, #tpu.memory_space<vmem>> -> memref<1x128xi32, #tpu.memory_space<vmem>>
        %dma_start3A_53 = tpu.memref_squeeze %dma_start3A_52 : memref<1x128xi32, #tpu.memory_space<vmem>> -> memref<128xi32, #tpu.memory_space<vmem>>
        %dma_start3A_54 = arith.constant 0 : i32
        %dma_start3A_55 = arith.constant 0 : i32
        %dma_start3A_56 = tpu.memref_slice %arg9[%dma_start3A_54, %dma_start3A_55] : memref<5152x128xf32, #tpu.memory_space<vmem_shared>> -> memref<5152x128xf32, #tpu.memory_space<vmem_shared>>
        tpu.enqueue_indirect_dma source(%arg7 : memref<128x128xf32, #tpu.memory_space<vmem>>) target(%dma_start3A_56 : memref<5152x128xf32, #tpu.memory_space<vmem_shared>>) offsets(%dma_start3A_53 : memref<128xi32, #tpu.memory_space<vmem>>) semaphore(%run_scoped3A_51 : memref<!tpu.dma_semaphore, #tpu.memory_space<semaphore_mem>>) {add = true}
        %dma_wait3A = arith.constant 0 : i32
        %dma_wait3A_57 = tpu.memref_slice %arg6[%run_scoped3A, %dma_wait3A] : memref<157x128xi32, #tpu.memory_space<vmem>> -> memref<1x128xi32, #tpu.memory_space<vmem>>
        %dma_wait3A_58 = tpu.memref_squeeze %dma_wait3A_57 : memref<1x128xi32, #tpu.memory_space<vmem>> -> memref<128xi32, #tpu.memory_space<vmem>>
        %dma_wait3A_59 = arith.constant 0 : i32
        %dma_wait3A_60 = arith.constant 0 : i32
        %dma_wait3A_61 = tpu.memref_slice %arg9[%dma_wait3A_59, %dma_wait3A_60] : memref<5152x128xf32, #tpu.memory_space<vmem_shared>> -> memref<5152x128xf32, #tpu.memory_space<vmem_shared>>
        tpu.wait_indirect_dma semaphore(%run_scoped3A_51 : memref<!tpu.dma_semaphore, #tpu.memory_space<semaphore_mem>>) src(%arg7 : memref<128x128xf32, #tpu.memory_space<vmem>>) dst(%dma_wait3A_61 : memref<5152x128xf32, #tpu.memory_space<vmem_shared>>)
        tpu.yield
      }) : () -> ()
    } else {
    }
    %barrier3A_43 = arith.constant 0 : index
    tpu.barrier barrier_id(%barrier3A_43)
    %mul3A_44 = arith.constant 320 : i32
    %mul3A_45 = arith.muli %arg1, %mul3A_44 : i32
    %mul3A_46 = arith.constant 320 : i32
    %mul3A_47 = arith.muli %arg1, %mul3A_46 : i32
    %add3A_48 = arith.addi %mul3A_3, %mul3A_47 : i32
    "tpu.region"() ({
      %run_scoped3A = tpu.sem_alloc : memref<!tpu.dma_semaphore, #tpu.memory_space<semaphore_mem>>
      %dma_start3A = arith.constant 0 : i32
      %dma_start3A_49 = tpu.memref_slice %arg4[%add3A_48, %dma_start3A] : memref<10240x128xf32, #tpu.memory_space<hbm>> -> memref<320x128xf32, #tpu.memory_space<hbm>>
      %dma_start3A_50 = arith.constant 0 : i32
      %dma_start3A_51 = tpu.memref_slice %arg9[%mul3A_45, %dma_start3A_50] : memref<5152x128xf32, #tpu.memory_space<vmem_shared>> -> memref<320x128xf32, #tpu.memory_space<vmem_shared>>
      tpu.enqueue_dma source(%dma_start3A_51 : memref<320x128xf32, #tpu.memory_space<vmem_shared>>) target(%dma_start3A_49 : memref<320x128xf32, #tpu.memory_space<hbm>>) target_semaphore(%run_scoped3A : memref<!tpu.dma_semaphore, #tpu.memory_space<semaphore_mem>>)
      %dma_wait3A = arith.constant 0 : i32
      %dma_wait3A_52 = tpu.memref_slice %arg4[%add3A_48, %dma_wait3A] : memref<10240x128xf32, #tpu.memory_space<hbm>> -> memref<320x128xf32, #tpu.memory_space<hbm>>
      %dma_wait3A_53 = arith.constant 0 : i32
      %dma_wait3A_54 = tpu.memref_slice %arg9[%mul3A_45, %dma_wait3A_53] : memref<5152x128xf32, #tpu.memory_space<vmem_shared>> -> memref<320x128xf32, #tpu.memory_space<vmem_shared>>
      tpu.wait_dma2 semaphore(%run_scoped3A : memref<!tpu.dma_semaphore, #tpu.memory_space<semaphore_mem>>) src(%dma_wait3A_54 : memref<320x128xf32, #tpu.memory_space<vmem_shared>>) dst(%dma_wait3A_52 : memref<320x128xf32, #tpu.memory_space<hbm>>)
      tpu.yield
    }) : () -> ()
    return
  }
}

#map = affine_map<(d0, d1) -> (0, 0)>
#map1 = affine_map<(d0, d1) -> (0)>
module attributes {stable_mosaic.version = 14 : i64} {
  func.func @seg(%arg0: i32, %arg1: i32, %arg2: memref<320000x128xf32, #tpu.memory_space<hbm>>, %arg3: memref<320000xi32, #tpu.memory_space<hbm>>, %arg4: memref<10240x128xf32, #tpu.memory_space<hbm>>, %arg5: memref<10240xf32, #tpu.memory_space<hbm>>, %arg6: memref<20096xi32, #tpu.memory_space<vmem>>, %arg7: memref<157x128xi32, #tpu.memory_space<vmem>>, %arg8: memref<128x128xf32, #tpu.memory_space<vmem>>, %arg9: memref<161x128xf32, #tpu.memory_space<vmem>>, %arg10: memref<5152x128xf32, #tpu.memory_space<vmem_shared>>, %arg11: memref<128xf32, #tpu.memory_space<vmem>>, %arg12: memref<640xf32, #tpu.memory_space<vmem>>, %arg13: memref<5248xf32, #tpu.memory_space<vmem_shared>>) attributes {dimension_semantics = [#tpu.dimension_semantics<core_parallel>, #tpu.dimension_semantics<subcore_parallel>], iteration_bounds = array<i64: 2, 16>, scalar_prefetch = 0 : i64, scratch_operands = 8 : i64, tpu.core_type = #tpu.core_type<sc_vector_subcore>, window_params = [{transform_indices = #map}, {transform_indices = #map1}, {transform_indices = #map}, {transform_indices = #map1}]} {
    %broadcast_in_dim3A = arith.constant 0.000000e+00 : f32
    %broadcast_in_dim3A_0 = vector.broadcast %broadcast_in_dim3A : f32 to vector<16xf32>
    %broadcast_in_dim3A_1 = arith.constant 1.000000e+00 : f32
    %broadcast_in_dim3A_2 = vector.broadcast %broadcast_in_dim3A_1 : f32 to vector<16xf32>
    %mul3A = arith.constant 5120 : i32
    %mul3A_3 = arith.muli %arg0, %mul3A : i32
    %mul3A_4 = arith.constant 156 : i32
    %mul3A_5 = arith.muli %arg1, %mul3A_4 : i32
    %add3A = arith.constant 2496 : i32
    %add3A_6 = arith.addi %add3A, %arg1 : i32
    %lt3A = arith.constant 4 : i32
    %lt3A_7 = arith.cmpi slt, %arg1, %lt3A : i32
    %scan3A = arith.constant 0 : i32
    %scan3A_8 = arith.constant 0 : i32
    %scan3A_9 = arith.constant 161 : i32
    %scan3A_10 = arith.addi %scan3A_8, %scan3A_9 : i32
    %scan3A_11 = arith.constant 1 : i32
    %scan3A_12 = scf.for %scan3A_77 = %scan3A_8 to %scan3A_10 step %scan3A_11 iter_args(%scan3A_78 = %scan3A) -> (i32)  : i32 {
      %swap3A = arith.index_cast %scan3A_77 : i32 to index
      %swap3A_79 = arith.constant 0 : index
      %swap3A_80 = tpu.vector_load %arg9[%swap3A, %swap3A_79] {strides = array<i32>} : memref<161x128xf32, #tpu.memory_space<vmem>>, vector<1x16xf32>,
      %swap3A_81 = vector.shape_cast %swap3A_80 : vector<1x16xf32> to vector<16xf32>
      %swap3A_82 = vector.shape_cast %broadcast_in_dim3A_0 : vector<16xf32> to vector<1x16xf32>
      tpu.vector_store %arg9[%swap3A, %swap3A_79], %swap3A_82 {strides = array<i32>} : memref<161x128xf32, #tpu.memory_space<vmem>>, vector<1x16xf32>,
      %swap3A_83 = arith.index_cast %scan3A_77 : i32 to index
      %swap3A_84 = arith.constant 16 : index
      %swap3A_85 = tpu.vector_load %arg9[%swap3A_83, %swap3A_84] {strides = array<i32>} : memref<161x128xf32, #tpu.memory_space<vmem>>, vector<1x16xf32>,
      %swap3A_86 = vector.shape_cast %swap3A_85 : vector<1x16xf32> to vector<16xf32>
      %swap3A_87 = vector.shape_cast %broadcast_in_dim3A_0 : vector<16xf32> to vector<1x16xf32>
      tpu.vector_store %arg9[%swap3A_83, %swap3A_84], %swap3A_87 {strides = array<i32>} : memref<161x128xf32, #tpu.memory_space<vmem>>, vector<1x16xf32>,
      %swap3A_88 = arith.index_cast %scan3A_77 : i32 to index
      %swap3A_89 = arith.constant 32 : index
      %swap3A_90 = tpu.vector_load %arg9[%swap3A_88, %swap3A_89] {strides = array<i32>} : memref<161x128xf32, #tpu.memory_space<vmem>>, vector<1x16xf32>,
      %swap3A_91 = vector.shape_cast %swap3A_90 : vector<1x16xf32> to vector<16xf32>
      %swap3A_92 = vector.shape_cast %broadcast_in_dim3A_0 : vector<16xf32> to vector<1x16xf32>
      tpu.vector_store %arg9[%swap3A_88, %swap3A_89], %swap3A_92 {strides = array<i32>} : memref<161x128xf32, #tpu.memory_space<vmem>>, vector<1x16xf32>,
      %swap3A_93 = arith.index_cast %scan3A_77 : i32 to index
      %swap3A_94 = arith.constant 48 : index
      %swap3A_95 = tpu.vector_load %arg9[%swap3A_93, %swap3A_94] {strides = array<i32>} : memref<161x128xf32, #tpu.memory_space<vmem>>, vector<1x16xf32>,
      %swap3A_96 = vector.shape_cast %swap3A_95 : vector<1x16xf32> to vector<16xf32>
      %swap3A_97 = vector.shape_cast %broadcast_in_dim3A_0 : vector<16xf32> to vector<1x16xf32>
      tpu.vector_store %arg9[%swap3A_93, %swap3A_94], %swap3A_97 {strides = array<i32>} : memref<161x128xf32, #tpu.memory_space<vmem>>, vector<1x16xf32>,
      %swap3A_98 = arith.index_cast %scan3A_77 : i32 to index
      %swap3A_99 = arith.constant 64 : index
      %swap3A_100 = tpu.vector_load %arg9[%swap3A_98, %swap3A_99] {strides = array<i32>} : memref<161x128xf32, #tpu.memory_space<vmem>>, vector<1x16xf32>,
      %swap3A_101 = vector.shape_cast %swap3A_100 : vector<1x16xf32> to vector<16xf32>
      %swap3A_102 = vector.shape_cast %broadcast_in_dim3A_0 : vector<16xf32> to vector<1x16xf32>
      tpu.vector_store %arg9[%swap3A_98, %swap3A_99], %swap3A_102 {strides = array<i32>} : memref<161x128xf32, #tpu.memory_space<vmem>>, vector<1x16xf32>,
      %swap3A_103 = arith.index_cast %scan3A_77 : i32 to index
      %swap3A_104 = arith.constant 80 : index
      %swap3A_105 = tpu.vector_load %arg9[%swap3A_103, %swap3A_104] {strides = array<i32>} : memref<161x128xf32, #tpu.memory_space<vmem>>, vector<1x16xf32>,
      %swap3A_106 = vector.shape_cast %swap3A_105 : vector<1x16xf32> to vector<16xf32>
      %swap3A_107 = vector.shape_cast %broadcast_in_dim3A_0 : vector<16xf32> to vector<1x16xf32>
      tpu.vector_store %arg9[%swap3A_103, %swap3A_104], %swap3A_107 {strides = array<i32>} : memref<161x128xf32, #tpu.memory_space<vmem>>, vector<1x16xf32>,
      %swap3A_108 = arith.index_cast %scan3A_77 : i32 to index
      %swap3A_109 = arith.constant 96 : index
      %swap3A_110 = tpu.vector_load %arg9[%swap3A_108, %swap3A_109] {strides = array<i32>} : memref<161x128xf32, #tpu.memory_space<vmem>>, vector<1x16xf32>,
      %swap3A_111 = vector.shape_cast %swap3A_110 : vector<1x16xf32> to vector<16xf32>
      %swap3A_112 = vector.shape_cast %broadcast_in_dim3A_0 : vector<16xf32> to vector<1x16xf32>
      tpu.vector_store %arg9[%swap3A_108, %swap3A_109], %swap3A_112 {strides = array<i32>} : memref<161x128xf32, #tpu.memory_space<vmem>>, vector<1x16xf32>,
      %swap3A_113 = arith.index_cast %scan3A_77 : i32 to index
      %swap3A_114 = arith.constant 112 : index
      %swap3A_115 = tpu.vector_load %arg9[%swap3A_113, %swap3A_114] {strides = array<i32>} : memref<161x128xf32, #tpu.memory_space<vmem>>, vector<1x16xf32>,
      %swap3A_116 = vector.shape_cast %swap3A_115 : vector<1x16xf32> to vector<16xf32>
      %swap3A_117 = vector.shape_cast %broadcast_in_dim3A_0 : vector<16xf32> to vector<1x16xf32>
      tpu.vector_store %arg9[%swap3A_113, %swap3A_114], %swap3A_117 {strides = array<i32>} : memref<161x128xf32, #tpu.memory_space<vmem>>, vector<1x16xf32>,
      %scan3A_118 = arith.constant 0 : i32
      scf.yield %scan3A_118 : i32
    }
    %scan3A_13 = arith.constant 161 : i32
    %scan3A_14 = arith.constant 0 : i32
    %scan3A_15 = arith.constant 0 : i32
    %scan3A_16 = arith.constant 40 : i32
    %scan3A_17 = arith.addi %scan3A_15, %scan3A_16 : i32
    %scan3A_18 = arith.constant 1 : i32
    %scan3A_19 = scf.for %scan3A_77 = %scan3A_15 to %scan3A_17 step %scan3A_18 iter_args(%scan3A_78 = %scan3A_14) -> (i32)  : i32 {
      %mul3A_79 = arith.constant 16 : i32
      %mul3A_80 = arith.muli %scan3A_77, %mul3A_79 : i32
      %swap3A = arith.index_cast %mul3A_80 : i32 to index
      %swap3A_81 = tpu.vector_load %arg12[%swap3A] {strides = array<i32>} : memref<640xf32, #tpu.memory_space<vmem>>, vector<16xf32>,
      %swap3A_82 = vector.shape_cast %swap3A_81 : vector<16xf32> to vector<16xf32>
      %swap3A_83 = vector.shape_cast %broadcast_in_dim3A_0 : vector<16xf32> to vector<16xf32>
      tpu.vector_store %arg12[%swap3A], %swap3A_83 {strides = array<i32>} : memref<640xf32, #tpu.memory_space<vmem>>, vector<16xf32>,
      %scan3A_84 = arith.constant 0 : i32
      scf.yield %scan3A_84 : i32
    }
    %scan3A_20 = arith.constant 40 : i32
    %scan3A_21 = arith.constant 0 : i32
    %scan3A_22 = arith.constant 0 : i32
    %scan3A_23 = arith.constant 8 : i32
    %scan3A_24 = arith.addi %scan3A_22, %scan3A_23 : i32
    %scan3A_25 = arith.constant 1 : i32
    %scan3A_26 = scf.for %scan3A_77 = %scan3A_22 to %scan3A_24 step %scan3A_25 iter_args(%scan3A_78 = %scan3A_21) -> (i32)  : i32 {
      %mul3A_79 = arith.constant 16 : i32
      %mul3A_80 = arith.muli %scan3A_77, %mul3A_79 : i32
      %swap3A = arith.index_cast %mul3A_80 : i32 to index
      %swap3A_81 = tpu.vector_load %arg11[%swap3A] {strides = array<i32>} : memref<128xf32, #tpu.memory_space<vmem>>, vector<16xf32>,
      %swap3A_82 = vector.shape_cast %swap3A_81 : vector<16xf32> to vector<16xf32>
      %swap3A_83 = vector.shape_cast %broadcast_in_dim3A_2 : vector<16xf32> to vector<16xf32>
      tpu.vector_store %arg11[%swap3A], %swap3A_83 {strides = array<i32>} : memref<128xf32, #tpu.memory_space<vmem>>, vector<16xf32>,
      %scan3A_84 = arith.constant 0 : i32
      scf.yield %scan3A_84 : i32
    }
    %scan3A_27 = arith.constant 8 : i32
    %scan3A_28 = arith.constant 0 : i32
    %scan3A_29 = arith.constant 0 : i32
    %scan3A_30 = arith.constant 13 : i32
    %scan3A_31 = arith.addi %scan3A_29, %scan3A_30 : i32
    %scan3A_32 = arith.constant 1 : i32
    %scan3A_33 = scf.for %scan3A_77 = %scan3A_29 to %scan3A_31 step %scan3A_32 iter_args(%scan3A_78 = %scan3A_28) -> (i32)  : i32 {
      %mul3A_79 = arith.constant 128 : i32
      %mul3A_80 = arith.muli %mul3A_5, %mul3A_79 : i32
      %mul3A_81 = arith.constant 1536 : i32
      %mul3A_82 = arith.muli %scan3A_77, %mul3A_81 : i32
      %add3A_83 = arith.addi %mul3A_80, %mul3A_82 : i32
      %mul3A_84 = arith.constant 1536 : i32
      %mul3A_85 = arith.muli %scan3A_77, %mul3A_84 : i32
      "tpu.region"() ({
        %run_scoped3A = tpu.sem_alloc : memref<!tpu.dma_semaphore, #tpu.memory_space<semaphore_mem>>
        %dma_start3A = tpu.memref_slice %arg6[%mul3A_85] : memref<20096xi32, #tpu.memory_space<vmem>> -> memref<1536xi32, #tpu.memory_space<vmem>>
        %dma_start3A_87 = tpu.memref_slice %arg3[%add3A_83] : memref<320000xi32, #tpu.memory_space<hbm>> -> memref<1536xi32, #tpu.memory_space<hbm>>
        %dma_start3A_88 = tpu.memref_slice %arg6[%mul3A_85] : memref<20096xi32, #tpu.memory_space<vmem>> -> memref<1536xi32, #tpu.memory_space<vmem>>
        %dma_start3A_89 = tpu.memref_slice %arg3[%add3A_83] : memref<320000xi32, #tpu.memory_space<hbm>> -> memref<1536xi32, #tpu.memory_space<hbm>>
        tpu.enqueue_dma source(%dma_start3A_89 : memref<1536xi32, #tpu.memory_space<hbm>>) target(%dma_start3A_88 : memref<1536xi32, #tpu.memory_space<vmem>>) target_semaphore(%run_scoped3A : memref<!tpu.dma_semaphore, #tpu.memory_space<semaphore_mem>>)
        %dma_wait3A = tpu.memref_slice %arg6[%mul3A_85] : memref<20096xi32, #tpu.memory_space<vmem>> -> memref<1536xi32, #tpu.memory_space<vmem>>
        %dma_wait3A_90 = tpu.memref_slice %arg3[%add3A_83] : memref<320000xi32, #tpu.memory_space<hbm>> -> memref<1536xi32, #tpu.memory_space<hbm>>
        %dma_wait3A_91 = tpu.memref_slice %arg6[%mul3A_85] : memref<20096xi32, #tpu.memory_space<vmem>> -> memref<1536xi32, #tpu.memory_space<vmem>>
        %dma_wait3A_92 = tpu.memref_slice %arg3[%add3A_83] : memref<320000xi32, #tpu.memory_space<hbm>> -> memref<1536xi32, #tpu.memory_space<hbm>>
        tpu.wait_dma2 semaphore(%run_scoped3A : memref<!tpu.dma_semaphore, #tpu.memory_space<semaphore_mem>>) src(%dma_wait3A_92 : memref<1536xi32, #tpu.memory_space<hbm>>) dst(%dma_wait3A_91 : memref<1536xi32, #tpu.memory_space<vmem>>)
        tpu.yield
      }) : () -> ()
      %scan3A_86 = arith.constant 0 : i32
      scf.yield %scan3A_86 : i32
    }
    %scan3A_34 = arith.constant 13 : i32
    %convert_element_type3A = arith.extui %lt3A_7 : i1 to i32
    %cond3A = arith.constant 0 : i32
    %cond3A_35 = arith.cmpi ne, %convert_element_type3A, %cond3A : i32
    scf.if %cond3A_35 {
      %mul3A_77 = arith.constant 128 : i32
      %mul3A_78 = arith.muli %add3A_6, %mul3A_77 : i32
      "tpu.region"() ({
        %run_scoped3A = tpu.sem_alloc : memref<!tpu.dma_semaphore, #tpu.memory_space<semaphore_mem>>
        %dma_start3A = arith.constant 19968 : i32
        %dma_start3A_79 = tpu.memref_slice %arg6[%dma_start3A] : memref<20096xi32, #tpu.memory_space<vmem>> -> memref<128xi32, #tpu.memory_space<vmem>>
        %dma_start3A_80 = tpu.memref_slice %arg3[%mul3A_78] : memref<320000xi32, #tpu.memory_space<hbm>> -> memref<128xi32, #tpu.memory_space<hbm>>
        %dma_start3A_81 = arith.constant 19968 : i32
        %dma_start3A_82 = tpu.memref_slice %arg6[%dma_start3A_81] : memref<20096xi32, #tpu.memory_space<vmem>> -> memref<128xi32, #tpu.memory_space<vmem>>
        %dma_start3A_83 = tpu.memref_slice %arg3[%mul3A_78] : memref<320000xi32, #tpu.memory_space<hbm>> -> memref<128xi32, #tpu.memory_space<hbm>>
        tpu.enqueue_dma source(%dma_start3A_83 : memref<128xi32, #tpu.memory_space<hbm>>) target(%dma_start3A_82 : memref<128xi32, #tpu.memory_space<vmem>>) target_semaphore(%run_scoped3A : memref<!tpu.dma_semaphore, #tpu.memory_space<semaphore_mem>>)
        %dma_wait3A = arith.constant 19968 : i32
        %dma_wait3A_84 = tpu.memref_slice %arg6[%dma_wait3A] : memref<20096xi32, #tpu.memory_space<vmem>> -> memref<128xi32, #tpu.memory_space<vmem>>
        %dma_wait3A_85 = tpu.memref_slice %arg3[%mul3A_78] : memref<320000xi32, #tpu.memory_space<hbm>> -> memref<128xi32, #tpu.memory_space<hbm>>
        %dma_wait3A_86 = arith.constant 19968 : i32
        %dma_wait3A_87 = tpu.memref_slice %arg6[%dma_wait3A_86] : memref<20096xi32, #tpu.memory_space<vmem>> -> memref<128xi32, #tpu.memory_space<vmem>>
        %dma_wait3A_88 = tpu.memref_slice %arg3[%mul3A_78] : memref<320000xi32, #tpu.memory_space<hbm>> -> memref<128xi32, #tpu.memory_space<hbm>>
        tpu.wait_dma2 semaphore(%run_scoped3A : memref<!tpu.dma_semaphore, #tpu.memory_space<semaphore_mem>>) src(%dma_wait3A_88 : memref<128xi32, #tpu.memory_space<hbm>>) dst(%dma_wait3A_87 : memref<128xi32, #tpu.memory_space<vmem>>)
        tpu.yield
      }) : () -> ()
    } else {
    }
    %scan3A_36 = arith.constant 0 : i32
    %scan3A_37 = arith.constant 0 : i32
    %scan3A_38 = arith.constant 157 : i32
    %scan3A_39 = arith.addi %scan3A_37, %scan3A_38 : i32
    %scan3A_40 = arith.constant 1 : i32
    %scan3A_41 = scf.for %scan3A_77 = %scan3A_37 to %scan3A_39 step %scan3A_40 iter_args(%scan3A_78 = %scan3A_36) -> (i32)  : i32 {
      %mul3A_79 = arith.constant 128 : i32
      %mul3A_80 = arith.muli %scan3A_77, %mul3A_79 : i32
      %add3A_81 = arith.constant 0 : i32
      %add3A_82 = arith.addi %mul3A_80, %add3A_81 : i32
      %get3A = arith.index_cast %add3A_82 : i32 to index
      %get3A_83 = tpu.vector_load %arg6[%get3A] {strides = array<i32>} : memref<20096xi32, #tpu.memory_space<vmem>>, vector<16xi32>,
      %get3A_84 = vector.shape_cast %get3A_83 : vector<16xi32> to vector<16xi32>
      %sub3A = vector.broadcast %mul3A_3 : i32 to vector<16xi32>
      %sub3A_85 = arith.subi %get3A_84, %sub3A : vector<16xi32>
      %ge3A = arith.constant 0 : i32
      %ge3A_86 = vector.broadcast %ge3A : i32 to vector<16xi32>
      %ge3A_87 = arith.cmpi sge, %sub3A_85, %ge3A_86 : vector<16xi32>
      %lt3A_88 = arith.constant 5120 : i32
      %lt3A_89 = vector.broadcast %lt3A_88 : i32 to vector<16xi32>
      %lt3A_90 = arith.cmpi slt, %sub3A_85, %lt3A_89 : vector<16xi32>
      %and3A = arith.andi %ge3A_87, %lt3A_90 : vector<16xi1>
      %and3A_91 = arith.constant 31 : i32
      %and3A_92 = vector.broadcast %and3A_91 : i32 to vector<16xi32>
      %and3A_93 = arith.andi %get3A_84, %and3A_92 : vector<16xi32>
      %add3A_94 = arith.constant 5120 : i32
      %add3A_95 = vector.broadcast %add3A_94 : i32 to vector<16xi32>
      %add3A_96 = arith.addi %add3A_95, %and3A_93 : vector<16xi32>
      %select_n3A = arith.select %and3A, %sub3A_85, %add3A_96 : vector<16xi1>, vector<16xi32>
      %swap3A = arith.index_cast %scan3A_77 : i32 to index
      %swap3A_97 = arith.constant 0 : index
      %swap3A_98 = tpu.vector_load %arg7[%swap3A, %swap3A_97] {strides = array<i32>} : memref<157x128xi32, #tpu.memory_space<vmem>>, vector<1x16xi32>,
      %swap3A_99 = vector.shape_cast %swap3A_98 : vector<1x16xi32> to vector<16xi32>
      %swap3A_100 = vector.shape_cast %select_n3A : vector<16xi32> to vector<1x16xi32>
      tpu.vector_store %arg7[%swap3A, %swap3A_97], %swap3A_100 {strides = array<i32>} : memref<157x128xi32, #tpu.memory_space<vmem>>, vector<1x16xi32>,
      %mul3A_101 = arith.constant 128 : i32
      %mul3A_102 = arith.muli %scan3A_77, %mul3A_101 : i32
      %add3A_103 = arith.constant 16 : i32
      %add3A_104 = arith.addi %mul3A_102, %add3A_103 : i32
      %get3A_105 = arith.index_cast %add3A_104 : i32 to index
      %get3A_106 = tpu.vector_load %arg6[%get3A_105] {strides = array<i32>} : memref<20096xi32, #tpu.memory_space<vmem>>, vector<16xi32>,
      %get3A_107 = vector.shape_cast %get3A_106 : vector<16xi32> to vector<16xi32>
      %sub3A_108 = vector.broadcast %mul3A_3 : i32 to vector<16xi32>
      %sub3A_109 = arith.subi %get3A_107, %sub3A_108 : vector<16xi32>
      %ge3A_110 = arith.constant 0 : i32
      %ge3A_111 = vector.broadcast %ge3A_110 : i32 to vector<16xi32>
      %ge3A_112 = arith.cmpi sge, %sub3A_109, %ge3A_111 : vector<16xi32>
      %lt3A_113 = arith.constant 5120 : i32
      %lt3A_114 = vector.broadcast %lt3A_113 : i32 to vector<16xi32>
      %lt3A_115 = arith.cmpi slt, %sub3A_109, %lt3A_114 : vector<16xi32>
      %and3A_116 = arith.andi %ge3A_112, %lt3A_115 : vector<16xi1>
      %and3A_117 = arith.constant 31 : i32
      %and3A_118 = vector.broadcast %and3A_117 : i32 to vector<16xi32>
      %and3A_119 = arith.andi %get3A_107, %and3A_118 : vector<16xi32>
      %add3A_120 = arith.constant 5120 : i32
      %add3A_121 = vector.broadcast %add3A_120 : i32 to vector<16xi32>
      %add3A_122 = arith.addi %add3A_121, %and3A_119 : vector<16xi32>
      %select_n3A_123 = arith.select %and3A_116, %sub3A_109, %add3A_122 : vector<16xi1>, vector<16xi32>
      %swap3A_124 = arith.index_cast %scan3A_77 : i32 to index
      %swap3A_125 = arith.constant 16 : index
      %swap3A_126 = tpu.vector_load %arg7[%swap3A_124, %swap3A_125] {strides = array<i32>} : memref<157x128xi32, #tpu.memory_space<vmem>>, vector<1x16xi32>,
      %swap3A_127 = vector.shape_cast %swap3A_126 : vector<1x16xi32> to vector<16xi32>
      %swap3A_128 = vector.shape_cast %select_n3A_123 : vector<16xi32> to vector<1x16xi32>
      tpu.vector_store %arg7[%swap3A_124, %swap3A_125], %swap3A_128 {strides = array<i32>} : memref<157x128xi32, #tpu.memory_space<vmem>>, vector<1x16xi32>,
      %mul3A_129 = arith.constant 128 : i32
      %mul3A_130 = arith.muli %scan3A_77, %mul3A_129 : i32
      %add3A_131 = arith.constant 32 : i32
      %add3A_132 = arith.addi %mul3A_130, %add3A_131 : i32
      %get3A_133 = arith.index_cast %add3A_132 : i32 to index
      %get3A_134 = tpu.vector_load %arg6[%get3A_133] {strides = array<i32>} : memref<20096xi32, #tpu.memory_space<vmem>>, vector<16xi32>,
      %get3A_135 = vector.shape_cast %get3A_134 : vector<16xi32> to vector<16xi32>
      %sub3A_136 = vector.broadcast %mul3A_3 : i32 to vector<16xi32>
      %sub3A_137 = arith.subi %get3A_135, %sub3A_136 : vector<16xi32>
      %ge3A_138 = arith.constant 0 : i32
      %ge3A_139 = vector.broadcast %ge3A_138 : i32 to vector<16xi32>
      %ge3A_140 = arith.cmpi sge, %sub3A_137, %ge3A_139 : vector<16xi32>
      %lt3A_141 = arith.constant 5120 : i32
      %lt3A_142 = vector.broadcast %lt3A_141 : i32 to vector<16xi32>
      %lt3A_143 = arith.cmpi slt, %sub3A_137, %lt3A_142 : vector<16xi32>
      %and3A_144 = arith.andi %ge3A_140, %lt3A_143 : vector<16xi1>
      %and3A_145 = arith.constant 31 : i32
      %and3A_146 = vector.broadcast %and3A_145 : i32 to vector<16xi32>
      %and3A_147 = arith.andi %get3A_135, %and3A_146 : vector<16xi32>
      %add3A_148 = arith.constant 5120 : i32
      %add3A_149 = vector.broadcast %add3A_148 : i32 to vector<16xi32>
      %add3A_150 = arith.addi %add3A_149, %and3A_147 : vector<16xi32>
      %select_n3A_151 = arith.select %and3A_144, %sub3A_137, %add3A_150 : vector<16xi1>, vector<16xi32>
      %swap3A_152 = arith.index_cast %scan3A_77 : i32 to index
      %swap3A_153 = arith.constant 32 : index
      %swap3A_154 = tpu.vector_load %arg7[%swap3A_152, %swap3A_153] {strides = array<i32>} : memref<157x128xi32, #tpu.memory_space<vmem>>, vector<1x16xi32>,
      %swap3A_155 = vector.shape_cast %swap3A_154 : vector<1x16xi32> to vector<16xi32>
      %swap3A_156 = vector.shape_cast %select_n3A_151 : vector<16xi32> to vector<1x16xi32>
      tpu.vector_store %arg7[%swap3A_152, %swap3A_153], %swap3A_156 {strides = array<i32>} : memref<157x128xi32, #tpu.memory_space<vmem>>, vector<1x16xi32>,
      %mul3A_157 = arith.constant 128 : i32
      %mul3A_158 = arith.muli %scan3A_77, %mul3A_157 : i32
      %add3A_159 = arith.constant 48 : i32
      %add3A_160 = arith.addi %mul3A_158, %add3A_159 : i32
      %get3A_161 = arith.index_cast %add3A_160 : i32 to index
      %get3A_162 = tpu.vector_load %arg6[%get3A_161] {strides = array<i32>} : memref<20096xi32, #tpu.memory_space<vmem>>, vector<16xi32>,
      %get3A_163 = vector.shape_cast %get3A_162 : vector<16xi32> to vector<16xi32>
      %sub3A_164 = vector.broadcast %mul3A_3 : i32 to vector<16xi32>
      %sub3A_165 = arith.subi %get3A_163, %sub3A_164 : vector<16xi32>
      %ge3A_166 = arith.constant 0 : i32
      %ge3A_167 = vector.broadcast %ge3A_166 : i32 to vector<16xi32>
      %ge3A_168 = arith.cmpi sge, %sub3A_165, %ge3A_167 : vector<16xi32>
      %lt3A_169 = arith.constant 5120 : i32
      %lt3A_170 = vector.broadcast %lt3A_169 : i32 to vector<16xi32>
      %lt3A_171 = arith.cmpi slt, %sub3A_165, %lt3A_170 : vector<16xi32>
      %and3A_172 = arith.andi %ge3A_168, %lt3A_171 : vector<16xi1>
      %and3A_173 = arith.constant 31 : i32
      %and3A_174 = vector.broadcast %and3A_173 : i32 to vector<16xi32>
      %and3A_175 = arith.andi %get3A_163, %and3A_174 : vector<16xi32>
      %add3A_176 = arith.constant 5120 : i32
      %add3A_177 = vector.broadcast %add3A_176 : i32 to vector<16xi32>
      %add3A_178 = arith.addi %add3A_177, %and3A_175 : vector<16xi32>
      %select_n3A_179 = arith.select %and3A_172, %sub3A_165, %add3A_178 : vector<16xi1>, vector<16xi32>
      %swap3A_180 = arith.index_cast %scan3A_77 : i32 to index
      %swap3A_181 = arith.constant 48 : index
      %swap3A_182 = tpu.vector_load %arg7[%swap3A_180, %swap3A_181] {strides = array<i32>} : memref<157x128xi32, #tpu.memory_space<vmem>>, vector<1x16xi32>,
      %swap3A_183 = vector.shape_cast %swap3A_182 : vector<1x16xi32> to vector<16xi32>
      %swap3A_184 = vector.shape_cast %select_n3A_179 : vector<16xi32> to vector<1x16xi32>
      tpu.vector_store %arg7[%swap3A_180, %swap3A_181], %swap3A_184 {strides = array<i32>} : memref<157x128xi32, #tpu.memory_space<vmem>>, vector<1x16xi32>,
      %mul3A_185 = arith.constant 128 : i32
      %mul3A_186 = arith.muli %scan3A_77, %mul3A_185 : i32
      %add3A_187 = arith.constant 64 : i32
      %add3A_188 = arith.addi %mul3A_186, %add3A_187 : i32
      %get3A_189 = arith.index_cast %add3A_188 : i32 to index
      %get3A_190 = tpu.vector_load %arg6[%get3A_189] {strides = array<i32>} : memref<20096xi32, #tpu.memory_space<vmem>>, vector<16xi32>,
      %get3A_191 = vector.shape_cast %get3A_190 : vector<16xi32> to vector<16xi32>
      %sub3A_192 = vector.broadcast %mul3A_3 : i32 to vector<16xi32>
      %sub3A_193 = arith.subi %get3A_191, %sub3A_192 : vector<16xi32>
      %ge3A_194 = arith.constant 0 : i32
      %ge3A_195 = vector.broadcast %ge3A_194 : i32 to vector<16xi32>
      %ge3A_196 = arith.cmpi sge, %sub3A_193, %ge3A_195 : vector<16xi32>
      %lt3A_197 = arith.constant 5120 : i32
      %lt3A_198 = vector.broadcast %lt3A_197 : i32 to vector<16xi32>
      %lt3A_199 = arith.cmpi slt, %sub3A_193, %lt3A_198 : vector<16xi32>
      %and3A_200 = arith.andi %ge3A_196, %lt3A_199 : vector<16xi1>
      %and3A_201 = arith.constant 31 : i32
      %and3A_202 = vector.broadcast %and3A_201 : i32 to vector<16xi32>
      %and3A_203 = arith.andi %get3A_191, %and3A_202 : vector<16xi32>
      %add3A_204 = arith.constant 5120 : i32
      %add3A_205 = vector.broadcast %add3A_204 : i32 to vector<16xi32>
      %add3A_206 = arith.addi %add3A_205, %and3A_203 : vector<16xi32>
      %select_n3A_207 = arith.select %and3A_200, %sub3A_193, %add3A_206 : vector<16xi1>, vector<16xi32>
      %swap3A_208 = arith.index_cast %scan3A_77 : i32 to index
      %swap3A_209 = arith.constant 64 : index
      %swap3A_210 = tpu.vector_load %arg7[%swap3A_208, %swap3A_209] {strides = array<i32>} : memref<157x128xi32, #tpu.memory_space<vmem>>, vector<1x16xi32>,
      %swap3A_211 = vector.shape_cast %swap3A_210 : vector<1x16xi32> to vector<16xi32>
      %swap3A_212 = vector.shape_cast %select_n3A_207 : vector<16xi32> to vector<1x16xi32>
      tpu.vector_store %arg7[%swap3A_208, %swap3A_209], %swap3A_212 {strides = array<i32>} : memref<157x128xi32, #tpu.memory_space<vmem>>, vector<1x16xi32>,
      %mul3A_213 = arith.constant 128 : i32
      %mul3A_214 = arith.muli %scan3A_77, %mul3A_213 : i32
      %add3A_215 = arith.constant 80 : i32
      %add3A_216 = arith.addi %mul3A_214, %add3A_215 : i32
      %get3A_217 = arith.index_cast %add3A_216 : i32 to index
      %get3A_218 = tpu.vector_load %arg6[%get3A_217] {strides = array<i32>} : memref<20096xi32, #tpu.memory_space<vmem>>, vector<16xi32>,
      %get3A_219 = vector.shape_cast %get3A_218 : vector<16xi32> to vector<16xi32>
      %sub3A_220 = vector.broadcast %mul3A_3 : i32 to vector<16xi32>
      %sub3A_221 = arith.subi %get3A_219, %sub3A_220 : vector<16xi32>
      %ge3A_222 = arith.constant 0 : i32
      %ge3A_223 = vector.broadcast %ge3A_222 : i32 to vector<16xi32>
      %ge3A_224 = arith.cmpi sge, %sub3A_221, %ge3A_223 : vector<16xi32>
      %lt3A_225 = arith.constant 5120 : i32
      %lt3A_226 = vector.broadcast %lt3A_225 : i32 to vector<16xi32>
      %lt3A_227 = arith.cmpi slt, %sub3A_221, %lt3A_226 : vector<16xi32>
      %and3A_228 = arith.andi %ge3A_224, %lt3A_227 : vector<16xi1>
      %and3A_229 = arith.constant 31 : i32
      %and3A_230 = vector.broadcast %and3A_229 : i32 to vector<16xi32>
      %and3A_231 = arith.andi %get3A_219, %and3A_230 : vector<16xi32>
      %add3A_232 = arith.constant 5120 : i32
      %add3A_233 = vector.broadcast %add3A_232 : i32 to vector<16xi32>
      %add3A_234 = arith.addi %add3A_233, %and3A_231 : vector<16xi32>
      %select_n3A_235 = arith.select %and3A_228, %sub3A_221, %add3A_234 : vector<16xi1>, vector<16xi32>
      %swap3A_236 = arith.index_cast %scan3A_77 : i32 to index
      %swap3A_237 = arith.constant 80 : index
      %swap3A_238 = tpu.vector_load %arg7[%swap3A_236, %swap3A_237] {strides = array<i32>} : memref<157x128xi32, #tpu.memory_space<vmem>>, vector<1x16xi32>,
      %swap3A_239 = vector.shape_cast %swap3A_238 : vector<1x16xi32> to vector<16xi32>
      %swap3A_240 = vector.shape_cast %select_n3A_235 : vector<16xi32> to vector<1x16xi32>
      tpu.vector_store %arg7[%swap3A_236, %swap3A_237], %swap3A_240 {strides = array<i32>} : memref<157x128xi32, #tpu.memory_space<vmem>>, vector<1x16xi32>,
      %mul3A_241 = arith.constant 128 : i32
      %mul3A_242 = arith.muli %scan3A_77, %mul3A_241 : i32
      %add3A_243 = arith.constant 96 : i32
      %add3A_244 = arith.addi %mul3A_242, %add3A_243 : i32
      %get3A_245 = arith.index_cast %add3A_244 : i32 to index
      %get3A_246 = tpu.vector_load %arg6[%get3A_245] {strides = array<i32>} : memref<20096xi32, #tpu.memory_space<vmem>>, vector<16xi32>,
      %get3A_247 = vector.shape_cast %get3A_246 : vector<16xi32> to vector<16xi32>
      %sub3A_248 = vector.broadcast %mul3A_3 : i32 to vector<16xi32>
      %sub3A_249 = arith.subi %get3A_247, %sub3A_248 : vector<16xi32>
      %ge3A_250 = arith.constant 0 : i32
      %ge3A_251 = vector.broadcast %ge3A_250 : i32 to vector<16xi32>
      %ge3A_252 = arith.cmpi sge, %sub3A_249, %ge3A_251 : vector<16xi32>
      %lt3A_253 = arith.constant 5120 : i32
      %lt3A_254 = vector.broadcast %lt3A_253 : i32 to vector<16xi32>
      %lt3A_255 = arith.cmpi slt, %sub3A_249, %lt3A_254 : vector<16xi32>
      %and3A_256 = arith.andi %ge3A_252, %lt3A_255 : vector<16xi1>
      %and3A_257 = arith.constant 31 : i32
      %and3A_258 = vector.broadcast %and3A_257 : i32 to vector<16xi32>
      %and3A_259 = arith.andi %get3A_247, %and3A_258 : vector<16xi32>
      %add3A_260 = arith.constant 5120 : i32
      %add3A_261 = vector.broadcast %add3A_260 : i32 to vector<16xi32>
      %add3A_262 = arith.addi %add3A_261, %and3A_259 : vector<16xi32>
      %select_n3A_263 = arith.select %and3A_256, %sub3A_249, %add3A_262 : vector<16xi1>, vector<16xi32>
      %swap3A_264 = arith.index_cast %scan3A_77 : i32 to index
      %swap3A_265 = arith.constant 96 : index
      %swap3A_266 = tpu.vector_load %arg7[%swap3A_264, %swap3A_265] {strides = array<i32>} : memref<157x128xi32, #tpu.memory_space<vmem>>, vector<1x16xi32>,
      %swap3A_267 = vector.shape_cast %swap3A_266 : vector<1x16xi32> to vector<16xi32>
      %swap3A_268 = vector.shape_cast %select_n3A_263 : vector<16xi32> to vector<1x16xi32>
      tpu.vector_store %arg7[%swap3A_264, %swap3A_265], %swap3A_268 {strides = array<i32>} : memref<157x128xi32, #tpu.memory_space<vmem>>, vector<1x16xi32>,
      %mul3A_269 = arith.constant 128 : i32
      %mul3A_270 = arith.muli %scan3A_77, %mul3A_269 : i32
      %add3A_271 = arith.constant 112 : i32
      %add3A_272 = arith.addi %mul3A_270, %add3A_271 : i32
      %get3A_273 = arith.index_cast %add3A_272 : i32 to index
      %get3A_274 = tpu.vector_load %arg6[%get3A_273] {strides = array<i32>} : memref<20096xi32, #tpu.memory_space<vmem>>, vector<16xi32>,
      %get3A_275 = vector.shape_cast %get3A_274 : vector<16xi32> to vector<16xi32>
      %sub3A_276 = vector.broadcast %mul3A_3 : i32 to vector<16xi32>
      %sub3A_277 = arith.subi %get3A_275, %sub3A_276 : vector<16xi32>
      %ge3A_278 = arith.constant 0 : i32
      %ge3A_279 = vector.broadcast %ge3A_278 : i32 to vector<16xi32>
      %ge3A_280 = arith.cmpi sge, %sub3A_277, %ge3A_279 : vector<16xi32>
      %lt3A_281 = arith.constant 5120 : i32
      %lt3A_282 = vector.broadcast %lt3A_281 : i32 to vector<16xi32>
      %lt3A_283 = arith.cmpi slt, %sub3A_277, %lt3A_282 : vector<16xi32>
      %and3A_284 = arith.andi %ge3A_280, %lt3A_283 : vector<16xi1>
      %and3A_285 = arith.constant 31 : i32
      %and3A_286 = vector.broadcast %and3A_285 : i32 to vector<16xi32>
      %and3A_287 = arith.andi %get3A_275, %and3A_286 : vector<16xi32>
      %add3A_288 = arith.constant 5120 : i32
      %add3A_289 = vector.broadcast %add3A_288 : i32 to vector<16xi32>
      %add3A_290 = arith.addi %add3A_289, %and3A_287 : vector<16xi32>
      %select_n3A_291 = arith.select %and3A_284, %sub3A_277, %add3A_290 : vector<16xi1>, vector<16xi32>
      %swap3A_292 = arith.index_cast %scan3A_77 : i32 to index
      %swap3A_293 = arith.constant 112 : index
      %swap3A_294 = tpu.vector_load %arg7[%swap3A_292, %swap3A_293] {strides = array<i32>} : memref<157x128xi32, #tpu.memory_space<vmem>>, vector<1x16xi32>,
      %swap3A_295 = vector.shape_cast %swap3A_294 : vector<1x16xi32> to vector<16xi32>
      %swap3A_296 = vector.shape_cast %select_n3A_291 : vector<16xi32> to vector<1x16xi32>
      tpu.vector_store %arg7[%swap3A_292, %swap3A_293], %swap3A_296 {strides = array<i32>} : memref<157x128xi32, #tpu.memory_space<vmem>>, vector<1x16xi32>,
      %scan3A_297 = arith.constant 0 : i32
      scf.yield %scan3A_297 : i32
    }
    %scan3A_42 = arith.constant 157 : i32
    %mul3A_43 = arith.constant 322 : i32
    %mul3A_44 = arith.muli %arg1, %mul3A_43 : i32
    "tpu.region"() ({
      %run_scoped3A = tpu.sem_alloc : memref<!tpu.dma_semaphore, #tpu.memory_space<semaphore_mem>>
      %dma_start3A = arith.constant 0 : i32
      %dma_start3A_77 = tpu.memref_slice %arg10[%mul3A_44, %dma_start3A] : memref<5152x128xf32, #tpu.memory_space<vmem_shared>> -> memref<161x128xf32, #tpu.memory_space<vmem_shared>>
      %dma_start3A_78 = arith.constant 0 : i32
      %dma_start3A_79 = tpu.memref_slice %arg10[%mul3A_44, %dma_start3A_78] : memref<5152x128xf32, #tpu.memory_space<vmem_shared>> -> memref<161x128xf32, #tpu.memory_space<vmem_shared>>
      tpu.enqueue_dma source(%arg9 : memref<161x128xf32, #tpu.memory_space<vmem>>) target(%dma_start3A_79 : memref<161x128xf32, #tpu.memory_space<vmem_shared>>) target_semaphore(%run_scoped3A : memref<!tpu.dma_semaphore, #tpu.memory_space<semaphore_mem>>)
      %dma_wait3A = arith.constant 0 : i32
      %dma_wait3A_80 = tpu.memref_slice %arg10[%mul3A_44, %dma_wait3A] : memref<5152x128xf32, #tpu.memory_space<vmem_shared>> -> memref<161x128xf32, #tpu.memory_space<vmem_shared>>
      %dma_wait3A_81 = arith.constant 0 : i32
      %dma_wait3A_82 = tpu.memref_slice %arg10[%mul3A_44, %dma_wait3A_81] : memref<5152x128xf32, #tpu.memory_space<vmem_shared>> -> memref<161x128xf32, #tpu.memory_space<vmem_shared>>
      tpu.wait_dma2 semaphore(%run_scoped3A : memref<!tpu.dma_semaphore, #tpu.memory_space<semaphore_mem>>) src(%arg9 : memref<161x128xf32, #tpu.memory_space<vmem>>) dst(%dma_wait3A_82 : memref<161x128xf32, #tpu.memory_space<vmem_shared>>)
      tpu.yield
    }) : () -> ()
    %add3A_45 = arith.constant 161 : i32
    %add3A_46 = arith.addi %mul3A_44, %add3A_45 : i32
    "tpu.region"() ({
      %run_scoped3A = tpu.sem_alloc : memref<!tpu.dma_semaphore, #tpu.memory_space<semaphore_mem>>
      %dma_start3A = arith.constant 0 : i32
      %dma_start3A_77 = tpu.memref_slice %arg10[%add3A_46, %dma_start3A] : memref<5152x128xf32, #tpu.memory_space<vmem_shared>> -> memref<161x128xf32, #tpu.memory_space<vmem_shared>>
      %dma_start3A_78 = arith.constant 0 : i32
      %dma_start3A_79 = tpu.memref_slice %arg10[%add3A_46, %dma_start3A_78] : memref<5152x128xf32, #tpu.memory_space<vmem_shared>> -> memref<161x128xf32, #tpu.memory_space<vmem_shared>>
      tpu.enqueue_dma source(%arg9 : memref<161x128xf32, #tpu.memory_space<vmem>>) target(%dma_start3A_79 : memref<161x128xf32, #tpu.memory_space<vmem_shared>>) target_semaphore(%run_scoped3A : memref<!tpu.dma_semaphore, #tpu.memory_space<semaphore_mem>>)
      %dma_wait3A = arith.constant 0 : i32
      %dma_wait3A_80 = tpu.memref_slice %arg10[%add3A_46, %dma_wait3A] : memref<5152x128xf32, #tpu.memory_space<vmem_shared>> -> memref<161x128xf32, #tpu.memory_space<vmem_shared>>
      %dma_wait3A_81 = arith.constant 0 : i32
      %dma_wait3A_82 = tpu.memref_slice %arg10[%add3A_46, %dma_wait3A_81] : memref<5152x128xf32, #tpu.memory_space<vmem_shared>> -> memref<161x128xf32, #tpu.memory_space<vmem_shared>>
      tpu.wait_dma2 semaphore(%run_scoped3A : memref<!tpu.dma_semaphore, #tpu.memory_space<semaphore_mem>>) src(%arg9 : memref<161x128xf32, #tpu.memory_space<vmem>>) dst(%dma_wait3A_82 : memref<161x128xf32, #tpu.memory_space<vmem_shared>>)
      tpu.yield
    }) : () -> ()
    %lt3A_47 = arith.constant 8 : i32
    %lt3A_48 = arith.cmpi slt, %arg1, %lt3A_47 : i32
    %convert_element_type3A_49 = arith.extui %lt3A_48 : i1 to i32
    %cond3A_50 = arith.constant 0 : i32
    %cond3A_51 = arith.cmpi ne, %convert_element_type3A_49, %cond3A_50 : i32
    scf.if %cond3A_51 {
      %mul3A_77 = arith.constant 640 : i32
      %mul3A_78 = arith.muli %arg1, %mul3A_77 : i32
      "tpu.region"() ({
        %run_scoped3A = tpu.sem_alloc : memref<!tpu.dma_semaphore, #tpu.memory_space<semaphore_mem>>
        %dma_start3A = tpu.memref_slice %arg13[%mul3A_78] : memref<5248xf32, #tpu.memory_space<vmem_shared>> -> memref<640xf32, #tpu.memory_space<vmem_shared>>
        %dma_start3A_79 = tpu.memref_slice %arg13[%mul3A_78] : memref<5248xf32, #tpu.memory_space<vmem_shared>> -> memref<640xf32, #tpu.memory_space<vmem_shared>>
        tpu.enqueue_dma source(%arg12 : memref<640xf32, #tpu.memory_space<vmem>>) target(%dma_start3A_79 : memref<640xf32, #tpu.memory_space<vmem_shared>>) target_semaphore(%run_scoped3A : memref<!tpu.dma_semaphore, #tpu.memory_space<semaphore_mem>>)
        %dma_wait3A = tpu.memref_slice %arg13[%mul3A_78] : memref<5248xf32, #tpu.memory_space<vmem_shared>> -> memref<640xf32, #tpu.memory_space<vmem_shared>>
        %dma_wait3A_80 = tpu.memref_slice %arg13[%mul3A_78] : memref<5248xf32, #tpu.memory_space<vmem_shared>> -> memref<640xf32, #tpu.memory_space<vmem_shared>>
        tpu.wait_dma2 semaphore(%run_scoped3A : memref<!tpu.dma_semaphore, #tpu.memory_space<semaphore_mem>>) src(%arg12 : memref<640xf32, #tpu.memory_space<vmem>>) dst(%dma_wait3A_80 : memref<640xf32, #tpu.memory_space<vmem_shared>>)
        tpu.yield
      }) : () -> ()
    } else {
    }
    %eq3A = arith.constant 8 : i32
    %eq3A_52 = arith.cmpi eq, %arg1, %eq3A : i32
    %convert_element_type3A_53 = arith.extui %eq3A_52 : i1 to i32
    %cond3A_54 = arith.constant 0 : i32
    %cond3A_55 = arith.cmpi ne, %convert_element_type3A_53, %cond3A_54 : i32
    scf.if %cond3A_55 {
      "tpu.region"() ({
        %run_scoped3A = tpu.sem_alloc : memref<!tpu.dma_semaphore, #tpu.memory_space<semaphore_mem>>
        %dma_start3A = arith.constant 0 : i32
        %dma_start3A_77 = tpu.memref_slice %arg12[%dma_start3A] : memref<640xf32, #tpu.memory_space<vmem>> -> memref<128xf32, #tpu.memory_space<vmem>>
        %dma_start3A_78 = arith.constant 5120 : i32
        %dma_start3A_79 = tpu.memref_slice %arg13[%dma_start3A_78] : memref<5248xf32, #tpu.memory_space<vmem_shared>> -> memref<128xf32, #tpu.memory_space<vmem_shared>>
        %dma_start3A_80 = arith.constant 5120 : i32
        %dma_start3A_81 = tpu.memref_slice %arg13[%dma_start3A_80] : memref<5248xf32, #tpu.memory_space<vmem_shared>> -> memref<128xf32, #tpu.memory_space<vmem_shared>>
        %dma_start3A_82 = arith.constant 0 : i32
        %dma_start3A_83 = tpu.memref_slice %arg12[%dma_start3A_82] : memref<640xf32, #tpu.memory_space<vmem>> -> memref<128xf32, #tpu.memory_space<vmem>>
        tpu.enqueue_dma source(%dma_start3A_83 : memref<128xf32, #tpu.memory_space<vmem>>) target(%dma_start3A_81 : memref<128xf32, #tpu.memory_space<vmem_shared>>) target_semaphore(%run_scoped3A : memref<!tpu.dma_semaphore, #tpu.memory_space<semaphore_mem>>)
        %dma_wait3A = arith.constant 0 : i32
        %dma_wait3A_84 = tpu.memref_slice %arg12[%dma_wait3A] : memref<640xf32, #tpu.memory_space<vmem>> -> memref<128xf32, #tpu.memory_space<vmem>>
        %dma_wait3A_85 = arith.constant 5120 : i32
        %dma_wait3A_86 = tpu.memref_slice %arg13[%dma_wait3A_85] : memref<5248xf32, #tpu.memory_space<vmem_shared>> -> memref<128xf32, #tpu.memory_space<vmem_shared>>
        %dma_wait3A_87 = arith.constant 5120 : i32
        %dma_wait3A_88 = tpu.memref_slice %arg13[%dma_wait3A_87] : memref<5248xf32, #tpu.memory_space<vmem_shared>> -> memref<128xf32, #tpu.memory_space<vmem_shared>>
        %dma_wait3A_89 = arith.constant 0 : i32
        %dma_wait3A_90 = tpu.memref_slice %arg12[%dma_wait3A_89] : memref<640xf32, #tpu.memory_space<vmem>> -> memref<128xf32, #tpu.memory_space<vmem>>
        tpu.wait_dma2 semaphore(%run_scoped3A : memref<!tpu.dma_semaphore, #tpu.memory_space<semaphore_mem>>) src(%dma_wait3A_90 : memref<128xf32, #tpu.memory_space<vmem>>) dst(%dma_wait3A_88 : memref<128xf32, #tpu.memory_space<vmem_shared>>)
        tpu.yield
      }) : () -> ()
    } else {
    }
    %barrier3A = arith.constant 0 : index
    tpu.barrier barrier_id(%barrier3A)
    %scan3A_56 = arith.constant 0 : i32
    %scan3A_57 = arith.constant 0 : i32
    %scan3A_58 = arith.constant 156 : i32
    %scan3A_59 = arith.addi %scan3A_57, %scan3A_58 : i32
    %scan3A_60 = arith.constant 1 : i32
    %scan3A_61 = scf.for %scan3A_77 = %scan3A_57 to %scan3A_59 step %scan3A_60 iter_args(%scan3A_78 = %scan3A_56) -> (i32)  : i32 {
      %add3A_79 = arith.addi %mul3A_5, %scan3A_77 : i32
      %mul3A_80 = arith.constant 128 : i32
      %mul3A_81 = arith.muli %add3A_79, %mul3A_80 : i32
      "tpu.region"() ({
        %run_scoped3A = tpu.sem_alloc : memref<!tpu.dma_semaphore, #tpu.memory_space<semaphore_mem>>
        %dma_start3A = arith.constant 0 : i32
        %dma_start3A_83 = tpu.memref_slice %arg2[%mul3A_81, %dma_start3A] : memref<320000x128xf32, #tpu.memory_space<hbm>> -> memref<128x128xf32, #tpu.memory_space<hbm>>
        %dma_start3A_84 = arith.constant 0 : i32
        %dma_start3A_85 = tpu.memref_slice %arg2[%mul3A_81, %dma_start3A_84] : memref<320000x128xf32, #tpu.memory_space<hbm>> -> memref<128x128xf32, #tpu.memory_space<hbm>>
        tpu.enqueue_dma source(%dma_start3A_85 : memref<128x128xf32, #tpu.memory_space<hbm>>) target(%arg8 : memref<128x128xf32, #tpu.memory_space<vmem>>) target_semaphore(%run_scoped3A : memref<!tpu.dma_semaphore, #tpu.memory_space<semaphore_mem>>)
        %dma_wait3A = arith.constant 0 : i32
        %dma_wait3A_86 = tpu.memref_slice %arg2[%mul3A_81, %dma_wait3A] : memref<320000x128xf32, #tpu.memory_space<hbm>> -> memref<128x128xf32, #tpu.memory_space<hbm>>
        %dma_wait3A_87 = arith.constant 0 : i32
        %dma_wait3A_88 = tpu.memref_slice %arg2[%mul3A_81, %dma_wait3A_87] : memref<320000x128xf32, #tpu.memory_space<hbm>> -> memref<128x128xf32, #tpu.memory_space<hbm>>
        tpu.wait_dma2 semaphore(%run_scoped3A : memref<!tpu.dma_semaphore, #tpu.memory_space<semaphore_mem>>) src(%dma_wait3A_88 : memref<128x128xf32, #tpu.memory_space<hbm>>) dst(%arg8 : memref<128x128xf32, #tpu.memory_space<vmem>>)
        tpu.yield
      }) : () -> ()
      "tpu.region"() ({
        %run_scoped3A = tpu.sem_alloc : memref<!tpu.dma_semaphore, #tpu.memory_space<semaphore_mem>>
        %dma_start3A = arith.constant 0 : i32
        %dma_start3A_83 = tpu.memref_slice %arg7[%scan3A_77, %dma_start3A] : memref<157x128xi32, #tpu.memory_space<vmem>> -> memref<1x128xi32, #tpu.memory_space<vmem>>
        %dma_start3A_84 = tpu.memref_squeeze %dma_start3A_83 : memref<1x128xi32, #tpu.memory_space<vmem>> -> memref<128xi32, #tpu.memory_space<vmem>>
        %dma_start3A_85 = arith.constant 0 : i32
        %dma_start3A_86 = arith.constant 0 : i32
        %dma_start3A_87 = tpu.memref_slice %arg10[%dma_start3A_85, %dma_start3A_86] : memref<5152x128xf32, #tpu.memory_space<vmem_shared>> -> memref<5152x128xf32, #tpu.memory_space<vmem_shared>>
        tpu.enqueue_indirect_dma source(%arg8 : memref<128x128xf32, #tpu.memory_space<vmem>>) target(%dma_start3A_87 : memref<5152x128xf32, #tpu.memory_space<vmem_shared>>) offsets(%dma_start3A_84 : memref<128xi32, #tpu.memory_space<vmem>>) semaphore(%run_scoped3A : memref<!tpu.dma_semaphore, #tpu.memory_space<semaphore_mem>>) {add = true}
        %dma_wait3A = arith.constant 0 : i32
        %dma_wait3A_88 = tpu.memref_slice %arg7[%scan3A_77, %dma_wait3A] : memref<157x128xi32, #tpu.memory_space<vmem>> -> memref<1x128xi32, #tpu.memory_space<vmem>>
        %dma_wait3A_89 = tpu.memref_squeeze %dma_wait3A_88 : memref<1x128xi32, #tpu.memory_space<vmem>> -> memref<128xi32, #tpu.memory_space<vmem>>
        %dma_wait3A_90 = arith.constant 0 : i32
        %dma_wait3A_91 = arith.constant 0 : i32
        %dma_wait3A_92 = tpu.memref_slice %arg10[%dma_wait3A_90, %dma_wait3A_91] : memref<5152x128xf32, #tpu.memory_space<vmem_shared>> -> memref<5152x128xf32, #tpu.memory_space<vmem_shared>>
        tpu.wait_indirect_dma semaphore(%run_scoped3A : memref<!tpu.dma_semaphore, #tpu.memory_space<semaphore_mem>>) src(%arg8 : memref<128x128xf32, #tpu.memory_space<vmem>>) dst(%dma_wait3A_92 : memref<5152x128xf32, #tpu.memory_space<vmem_shared>>)
        tpu.yield
      }) : () -> ()
      "tpu.region"() ({
        %run_scoped3A = tpu.sem_alloc : memref<!tpu.dma_semaphore, #tpu.memory_space<semaphore_mem>>
        %dma_start3A = arith.constant 0 : i32
        %dma_start3A_83 = tpu.memref_slice %arg7[%scan3A_77, %dma_start3A] : memref<157x128xi32, #tpu.memory_space<vmem>> -> memref<1x128xi32, #tpu.memory_space<vmem>>
        %dma_start3A_84 = tpu.memref_squeeze %dma_start3A_83 : memref<1x128xi32, #tpu.memory_space<vmem>> -> memref<128xi32, #tpu.memory_space<vmem>>
        %dma_start3A_85 = arith.constant 0 : i32
        %dma_start3A_86 = tpu.memref_slice %arg13[%dma_start3A_85] : memref<5248xf32, #tpu.memory_space<vmem_shared>> -> memref<5248xf32, #tpu.memory_space<vmem_shared>>
        tpu.enqueue_indirect_dma source(%arg11 : memref<128xf32, #tpu.memory_space<vmem>>) target(%dma_start3A_86 : memref<5248xf32, #tpu.memory_space<vmem_shared>>) offsets(%dma_start3A_84 : memref<128xi32, #tpu.memory_space<vmem>>) semaphore(%run_scoped3A : memref<!tpu.dma_semaphore, #tpu.memory_space<semaphore_mem>>) {add = true}
        %dma_wait3A = arith.constant 0 : i32
        %dma_wait3A_87 = tpu.memref_slice %arg7[%scan3A_77, %dma_wait3A] : memref<157x128xi32, #tpu.memory_space<vmem>> -> memref<1x128xi32, #tpu.memory_space<vmem>>
        %dma_wait3A_88 = tpu.memref_squeeze %dma_wait3A_87 : memref<1x128xi32, #tpu.memory_space<vmem>> -> memref<128xi32, #tpu.memory_space<vmem>>
        %dma_wait3A_89 = arith.constant 0 : i32
        %dma_wait3A_90 = tpu.memref_slice %arg13[%dma_wait3A_89] : memref<5248xf32, #tpu.memory_space<vmem_shared>> -> memref<5248xf32, #tpu.memory_space<vmem_shared>>
        tpu.wait_indirect_dma semaphore(%run_scoped3A : memref<!tpu.dma_semaphore, #tpu.memory_space<semaphore_mem>>) src(%arg11 : memref<128xf32, #tpu.memory_space<vmem>>) dst(%dma_wait3A_90 : memref<5248xf32, #tpu.memory_space<vmem_shared>>)
        tpu.yield
      }) : () -> ()
      %scan3A_82 = arith.constant 0 : i32
      scf.yield %scan3A_82 : i32
    }
    %scan3A_62 = arith.constant 156 : i32
    %convert_element_type3A_63 = arith.extui %lt3A_7 : i1 to i32
    %cond3A_64 = arith.constant 0 : i32
    %cond3A_65 = arith.cmpi ne, %convert_element_type3A_63, %cond3A_64 : i32
    scf.if %cond3A_65 {
      %mul3A_77 = arith.constant 128 : i32
      %mul3A_78 = arith.muli %add3A_6, %mul3A_77 : i32
      "tpu.region"() ({
        %run_scoped3A_80 = tpu.sem_alloc : memref<!tpu.dma_semaphore, #tpu.memory_space<semaphore_mem>>
        %dma_start3A = arith.constant 0 : i32
        %dma_start3A_81 = tpu.memref_slice %arg2[%mul3A_78, %dma_start3A] : memref<320000x128xf32, #tpu.memory_space<hbm>> -> memref<128x128xf32, #tpu.memory_space<hbm>>
        %dma_start3A_82 = arith.constant 0 : i32
        %dma_start3A_83 = tpu.memref_slice %arg2[%mul3A_78, %dma_start3A_82] : memref<320000x128xf32, #tpu.memory_space<hbm>> -> memref<128x128xf32, #tpu.memory_space<hbm>>
        tpu.enqueue_dma source(%dma_start3A_83 : memref<128x128xf32, #tpu.memory_space<hbm>>) target(%arg8 : memref<128x128xf32, #tpu.memory_space<vmem>>) target_semaphore(%run_scoped3A_80 : memref<!tpu.dma_semaphore, #tpu.memory_space<semaphore_mem>>)
        %dma_wait3A = arith.constant 0 : i32
        %dma_wait3A_84 = tpu.memref_slice %arg2[%mul3A_78, %dma_wait3A] : memref<320000x128xf32, #tpu.memory_space<hbm>> -> memref<128x128xf32, #tpu.memory_space<hbm>>
        %dma_wait3A_85 = arith.constant 0 : i32
        %dma_wait3A_86 = tpu.memref_slice %arg2[%mul3A_78, %dma_wait3A_85] : memref<320000x128xf32, #tpu.memory_space<hbm>> -> memref<128x128xf32, #tpu.memory_space<hbm>>
        tpu.wait_dma2 semaphore(%run_scoped3A_80 : memref<!tpu.dma_semaphore, #tpu.memory_space<semaphore_mem>>) src(%dma_wait3A_86 : memref<128x128xf32, #tpu.memory_space<hbm>>) dst(%arg8 : memref<128x128xf32, #tpu.memory_space<vmem>>)
        tpu.yield
      }) : () -> ()
      %run_scoped3A = arith.constant 156 : i32
      "tpu.region"() ({
        %run_scoped3A_80 = tpu.sem_alloc : memref<!tpu.dma_semaphore, #tpu.memory_space<semaphore_mem>>
        %dma_start3A = arith.constant 0 : i32
        %dma_start3A_81 = tpu.memref_slice %arg7[%run_scoped3A, %dma_start3A] : memref<157x128xi32, #tpu.memory_space<vmem>> -> memref<1x128xi32, #tpu.memory_space<vmem>>
        %dma_start3A_82 = tpu.memref_squeeze %dma_start3A_81 : memref<1x128xi32, #tpu.memory_space<vmem>> -> memref<128xi32, #tpu.memory_space<vmem>>
        %dma_start3A_83 = arith.constant 0 : i32
        %dma_start3A_84 = arith.constant 0 : i32
        %dma_start3A_85 = tpu.memref_slice %arg10[%dma_start3A_83, %dma_start3A_84] : memref<5152x128xf32, #tpu.memory_space<vmem_shared>> -> memref<5152x128xf32, #tpu.memory_space<vmem_shared>>
        tpu.enqueue_indirect_dma source(%arg8 : memref<128x128xf32, #tpu.memory_space<vmem>>) target(%dma_start3A_85 : memref<5152x128xf32, #tpu.memory_space<vmem_shared>>) offsets(%dma_start3A_82 : memref<128xi32, #tpu.memory_space<vmem>>) semaphore(%run_scoped3A_80 : memref<!tpu.dma_semaphore, #tpu.memory_space<semaphore_mem>>) {add = true}
        %dma_wait3A = arith.constant 0 : i32
        %dma_wait3A_86 = tpu.memref_slice %arg7[%run_scoped3A, %dma_wait3A] : memref<157x128xi32, #tpu.memory_space<vmem>> -> memref<1x128xi32, #tpu.memory_space<vmem>>
        %dma_wait3A_87 = tpu.memref_squeeze %dma_wait3A_86 : memref<1x128xi32, #tpu.memory_space<vmem>> -> memref<128xi32, #tpu.memory_space<vmem>>
        %dma_wait3A_88 = arith.constant 0 : i32
        %dma_wait3A_89 = arith.constant 0 : i32
        %dma_wait3A_90 = tpu.memref_slice %arg10[%dma_wait3A_88, %dma_wait3A_89] : memref<5152x128xf32, #tpu.memory_space<vmem_shared>> -> memref<5152x128xf32, #tpu.memory_space<vmem_shared>>
        tpu.wait_indirect_dma semaphore(%run_scoped3A_80 : memref<!tpu.dma_semaphore, #tpu.memory_space<semaphore_mem>>) src(%arg8 : memref<128x128xf32, #tpu.memory_space<vmem>>) dst(%dma_wait3A_90 : memref<5152x128xf32, #tpu.memory_space<vmem_shared>>)
        tpu.yield
      }) : () -> ()
      %run_scoped3A_79 = arith.constant 156 : i32
      "tpu.region"() ({
        %run_scoped3A_80 = tpu.sem_alloc : memref<!tpu.dma_semaphore, #tpu.memory_space<semaphore_mem>>
        %dma_start3A = arith.constant 0 : i32
        %dma_start3A_81 = tpu.memref_slice %arg7[%run_scoped3A_79, %dma_start3A] : memref<157x128xi32, #tpu.memory_space<vmem>> -> memref<1x128xi32, #tpu.memory_space<vmem>>
        %dma_start3A_82 = tpu.memref_squeeze %dma_start3A_81 : memref<1x128xi32, #tpu.memory_space<vmem>> -> memref<128xi32, #tpu.memory_space<vmem>>
        %dma_start3A_83 = arith.constant 0 : i32
        %dma_start3A_84 = tpu.memref_slice %arg13[%dma_start3A_83] : memref<5248xf32, #tpu.memory_space<vmem_shared>> -> memref<5248xf32, #tpu.memory_space<vmem_shared>>
        tpu.enqueue_indirect_dma source(%arg11 : memref<128xf32, #tpu.memory_space<vmem>>) target(%dma_start3A_84 : memref<5248xf32, #tpu.memory_space<vmem_shared>>) offsets(%dma_start3A_82 : memref<128xi32, #tpu.memory_space<vmem>>) semaphore(%run_scoped3A_80 : memref<!tpu.dma_semaphore, #tpu.memory_space<semaphore_mem>>) {add = true}
        %dma_wait3A = arith.constant 0 : i32
        %dma_wait3A_85 = tpu.memref_slice %arg7[%run_scoped3A_79, %dma_wait3A] : memref<157x128xi32, #tpu.memory_space<vmem>> -> memref<1x128xi32, #tpu.memory_space<vmem>>
        %dma_wait3A_86 = tpu.memref_squeeze %dma_wait3A_85 : memref<1x128xi32, #tpu.memory_space<vmem>> -> memref<128xi32, #tpu.memory_space<vmem>>
        %dma_wait3A_87 = arith.constant 0 : i32
        %dma_wait3A_88 = tpu.memref_slice %arg13[%dma_wait3A_87] : memref<5248xf32, #tpu.memory_space<vmem_shared>> -> memref<5248xf32, #tpu.memory_space<vmem_shared>>
        tpu.wait_indirect_dma semaphore(%run_scoped3A_80 : memref<!tpu.dma_semaphore, #tpu.memory_space<semaphore_mem>>) src(%arg11 : memref<128xf32, #tpu.memory_space<vmem>>) dst(%dma_wait3A_88 : memref<5248xf32, #tpu.memory_space<vmem_shared>>)
        tpu.yield
      }) : () -> ()
    } else {
    }
    %barrier3A_66 = arith.constant 0 : index
    tpu.barrier barrier_id(%barrier3A_66)
    %mul3A_67 = arith.constant 320 : i32
    %mul3A_68 = arith.muli %arg1, %mul3A_67 : i32
    %mul3A_69 = arith.constant 320 : i32
    %mul3A_70 = arith.muli %arg1, %mul3A_69 : i32
    %add3A_71 = arith.addi %mul3A_3, %mul3A_70 : i32
    "tpu.region"() ({
      %run_scoped3A = tpu.sem_alloc : memref<!tpu.dma_semaphore, #tpu.memory_space<semaphore_mem>>
      %dma_start3A = arith.constant 0 : i32
      %dma_start3A_77 = tpu.memref_slice %arg4[%add3A_71, %dma_start3A] : memref<10240x128xf32, #tpu.memory_space<hbm>> -> memref<320x128xf32, #tpu.memory_space<hbm>>
      %dma_start3A_78 = arith.constant 0 : i32
      %dma_start3A_79 = tpu.memref_slice %arg10[%mul3A_68, %dma_start3A_78] : memref<5152x128xf32, #tpu.memory_space<vmem_shared>> -> memref<320x128xf32, #tpu.memory_space<vmem_shared>>
      tpu.enqueue_dma source(%dma_start3A_79 : memref<320x128xf32, #tpu.memory_space<vmem_shared>>) target(%dma_start3A_77 : memref<320x128xf32, #tpu.memory_space<hbm>>) target_semaphore(%run_scoped3A : memref<!tpu.dma_semaphore, #tpu.memory_space<semaphore_mem>>)
      %dma_wait3A = arith.constant 0 : i32
      %dma_wait3A_80 = tpu.memref_slice %arg4[%add3A_71, %dma_wait3A] : memref<10240x128xf32, #tpu.memory_space<hbm>> -> memref<320x128xf32, #tpu.memory_space<hbm>>
      %dma_wait3A_81 = arith.constant 0 : i32
      %dma_wait3A_82 = tpu.memref_slice %arg10[%mul3A_68, %dma_wait3A_81] : memref<5152x128xf32, #tpu.memory_space<vmem_shared>> -> memref<320x128xf32, #tpu.memory_space<vmem_shared>>
      tpu.wait_dma2 semaphore(%run_scoped3A : memref<!tpu.dma_semaphore, #tpu.memory_space<semaphore_mem>>) src(%dma_wait3A_82 : memref<320x128xf32, #tpu.memory_space<vmem_shared>>) dst(%dma_wait3A_80 : memref<320x128xf32, #tpu.memory_space<hbm>>)
      tpu.yield
    }) : () -> ()
    %lt3A_72 = arith.constant 8 : i32
    %lt3A_73 = arith.cmpi slt, %arg1, %lt3A_72 : i32
    %convert_element_type3A_74 = arith.extui %lt3A_73 : i1 to i32
    %cond3A_75 = arith.constant 0 : i32
    %cond3A_76 = arith.cmpi ne, %convert_element_type3A_74, %cond3A_75 : i32
    scf.if %cond3A_76 {
      %mul3A_77 = arith.constant 640 : i32
      %mul3A_78 = arith.muli %arg1, %mul3A_77 : i32
      %mul3A_79 = arith.constant 640 : i32
      %mul3A_80 = arith.muli %arg1, %mul3A_79 : i32
      %add3A_81 = arith.addi %mul3A_3, %mul3A_80 : i32
      "tpu.region"() ({
        %run_scoped3A = tpu.sem_alloc : memref<!tpu.dma_semaphore, #tpu.memory_space<semaphore_mem>>
        %dma_start3A = tpu.memref_slice %arg5[%add3A_81] : memref<10240xf32, #tpu.memory_space<hbm>> -> memref<640xf32, #tpu.memory_space<hbm>>
        %dma_start3A_82 = tpu.memref_slice %arg13[%mul3A_78] : memref<5248xf32, #tpu.memory_space<vmem_shared>> -> memref<640xf32, #tpu.memory_space<vmem_shared>>
        tpu.enqueue_dma source(%dma_start3A_82 : memref<640xf32, #tpu.memory_space<vmem_shared>>) target(%dma_start3A : memref<640xf32, #tpu.memory_space<hbm>>) target_semaphore(%run_scoped3A : memref<!tpu.dma_semaphore, #tpu.memory_space<semaphore_mem>>)
        %dma_wait3A = tpu.memref_slice %arg5[%add3A_81] : memref<10240xf32, #tpu.memory_space<hbm>> -> memref<640xf32, #tpu.memory_space<hbm>>
        %dma_wait3A_83 = tpu.memref_slice %arg13[%mul3A_78] : memref<5248xf32, #tpu.memory_space<vmem_shared>> -> memref<640xf32, #tpu.memory_space<vmem_shared>>
        tpu.wait_dma2 semaphore(%run_scoped3A : memref<!tpu.dma_semaphore, #tpu.memory_space<semaphore_mem>>) src(%dma_wait3A_83 : memref<640xf32, #tpu.memory_space<vmem_shared>>) dst(%dma_wait3A : memref<640xf32, #tpu.memory_space<hbm>>)
        tpu.yield
      }) : () -> ()
    } else {
    }
    return
  }
}

module attributes {stable_mosaic.version = 14 : i64} {
  func.func @_he_body1(%arg0: i32, %arg1: memref<3200x16xf32, #tpu.memory_space<vmem>>, %arg2: memref<16x128xf32, #tpu.memory_space<vmem>>, %arg3: memref<1x128xf32, #tpu.memory_space<vmem>>, %arg4: memref<3200x128xf32, #tpu.memory_space<vmem>>) attributes {dimension_semantics = [#tpu.dimension_semantics<arbitrary>], iteration_bounds = array<i64: 100>, scalar_prefetch = 0 : i64, scratch_operands = 0 : i64, tpu.core_type = #tpu.core_type<tc>, window_params = [{transform_indices = @transform_0, window_bounds = array<i64: 3200, 16>}, {pipeline_mode = #tpu.pipeline_mode<synchronous>, transform_indices = @transform_1, window_bounds = array<i64: 16, 128>}, {pipeline_mode = #tpu.pipeline_mode<synchronous>, transform_indices = @transform_2, window_bounds = array<i64: 1, 128>}, {transform_indices = @transform_3, window_bounds = array<i64: 3200, 128>}]} {
    %get3A = arith.constant 0 : index
    %get3A_0 = arith.constant 0 : index
    %get3A_1 = vector.load %arg1[%get3A, %get3A_0] : memref<3200x16xf32, #tpu.memory_space<vmem>>, vector<3200x16xf32>
    %get3A_2 = arith.constant 0 : index
    %get3A_3 = arith.constant 0 : index
    %get3A_4 = vector.load %arg2[%get3A_2, %get3A_3] : memref<16x128xf32, #tpu.memory_space<vmem>>, vector<16x128xf32>
    %dot_general3A = arith.constant dense<0.000000e+00> : vector<3200x128xf32>
    %dot_general3A_5 = tpu.matmul %get3A_1, %get3A_4, %dot_general3A {dimension_numbers = #tpu.dot_dimension_numbers<[1], [0], [0], [1], [0, 0, 1, 1], [], []>, precision = #tpu.contract_precision<fp32>, transpose_lhs_hint = false} : vector<3200x16xf32>, vector<16x128xf32>, vector<3200x128xf32> -> vector<3200x128xf32>
    %get3A_6 = arith.constant 0 : index
    %get3A_7 = arith.constant 0 : index
    %get3A_8 = vector.load %arg3[%get3A_6, %get3A_7] : memref<1x128xf32, #tpu.memory_space<vmem>>, vector<1x128xf32>
    %add3A = vector.broadcast %get3A_8 : vector<1x128xf32> to vector<3200x128xf32>
    %add3A_9 = arith.addf %dot_general3A_5, %add3A : vector<3200x128xf32>
    %ge3A = arith.constant 0.000000e+00 : f32
    %ge3A_10 = vector.broadcast %ge3A : f32 to vector<3200x128xf32>
    %ge3A_11 = arith.cmpf oge, %add3A_9, %ge3A_10 : vector<3200x128xf32>
    %mul3A = arith.constant 1.500000e-01 : f32
    %mul3A_12 = vector.broadcast %mul3A : f32 to vector<3200x128xf32>
    %mul3A_13 = arith.mulf %mul3A_12, %add3A_9 : vector<3200x128xf32>
    %select_n3A = arith.select %ge3A_11, %add3A_9, %mul3A_13 : vector<3200x128xi1>, vector<3200x128xf32>
    %swap3A = arith.constant 0 : index
    %swap3A_14 = arith.constant 0 : index
    %swap3A_15 = vector.load %arg4[%swap3A, %swap3A_14] : memref<3200x128xf32, #tpu.memory_space<vmem>>, vector<3200x128xf32>
    tpu.vector_store %arg4[%swap3A, %swap3A_14], %select_n3A {strides = array<i32>} : memref<3200x128xf32, #tpu.memory_space<vmem>>, vector<3200x128xf32>,
    return
  }
  func.func @transform_0(%arg0: i32) -> (i32, i32) {
    %c0_i32 = arith.constant 0 : i32
    %c0_i32_0 = arith.constant 0 : i32
    return %arg0, %c0_i32 : i32, i32
  }
  func.func @transform_1(%arg0: i32) -> (i32, i32) {
    %c0_i32 = arith.constant 0 : i32
    %c0_i32_0 = arith.constant 0 : i32
    %c0_i32_1 = arith.constant 0 : i32
    return %c0_i32, %c0_i32_0 : i32, i32
  }
  func.func @transform_2(%arg0: i32) -> (i32, i32) {
    %c0_i32 = arith.constant 0 : i32
    %c0_i32_0 = arith.constant 0 : i32
    %c0_i32_1 = arith.constant 0 : i32
    return %c0_i32, %c0_i32_0 : i32, i32
  }
  func.func @transform_3(%arg0: i32) -> (i32, i32) {
    %c0_i32 = arith.constant 0 : i32
    %c0_i32_0 = arith.constant 0 : i32
    return %arg0, %c0_i32 : i32, i32
  }
}

module attributes {stable_mosaic.version = 14 : i64} {
  func.func @_node_body(%arg0: i32, %arg1: memref<1000x128xf32, #tpu.memory_space<vmem>>, %arg2: memref<1000x128xf32, #tpu.memory_space<vmem>>, %arg3: memref<1000x128xf32, #tpu.memory_space<vmem>>, %arg4: memref<1000x1xf32, #tpu.memory_space<vmem>>, %arg5: memref<128x128xf32, #tpu.memory_space<vmem>>, %arg6: memref<1x128xf32, #tpu.memory_space<vmem>>, %arg7: memref<128x128xf32, #tpu.memory_space<vmem>>, %arg8: memref<128x128xf32, #tpu.memory_space<vmem>>, %arg9: memref<1x128xf32, #tpu.memory_space<vmem>>, %arg10: memref<128x128xf32, #tpu.memory_space<vmem>>, %arg11: memref<1x128xf32, #tpu.memory_space<vmem>>, %arg12: memref<128x128xf32, #tpu.memory_space<vmem>>, %arg13: memref<128x128xf32, #tpu.memory_space<vmem>>, %arg14: memref<1x128xf32, #tpu.memory_space<vmem>>, %arg15: memref<128x64xf32, #tpu.memory_space<vmem>>, %arg16: memref<1x64xf32, #tpu.memory_space<vmem>>, %arg17: memref<128x64xf32, #tpu.memory_space<vmem>>, %arg18: memref<1x64xf32, #tpu.memory_space<vmem>>, %arg19: memref<1000x64xf32, #tpu.memory_space<vmem>>, %arg20: memref<1000x64xf32, #tpu.memory_space<vmem>>) attributes {dimension_semantics = [#tpu.dimension_semantics<arbitrary>], iteration_bounds = array<i64: 10>, scalar_prefetch = 0 : i64, scratch_operands = 0 : i64, tpu.core_type = #tpu.core_type<tc>, window_params = [{transform_indices = @transform_0, window_bounds = array<i64: 1000, 128>}, {transform_indices = @transform_1, window_bounds = array<i64: 1000, 128>}, {transform_indices = @transform_2, window_bounds = array<i64: 1000, 128>}, {transform_indices = @transform_3, window_bounds = array<i64: 1000, 1>}, {pipeline_mode = #tpu.pipeline_mode<synchronous>, transform_indices = @transform_4, window_bounds = array<i64: 128, 128>}, {pipeline_mode = #tpu.pipeline_mode<synchronous>, transform_indices = @transform_5, window_bounds = array<i64: 1, 128>}, {pipeline_mode = #tpu.pipeline_mode<synchronous>, transform_indices = @transform_6, window_bounds = array<i64: 128, 128>}, {pipeline_mode = #tpu.pipeline_mode<synchronous>, transform_indices = @transform_7, window_bounds = array<i64: 128, 128>}, {pipeline_mode = #tpu.pipeline_mode<synchronous>, transform_indices = @transform_8, window_bounds = array<i64: 1, 128>}, {pipeline_mode = #tpu.pipeline_mode<synchronous>, transform_indices = @transform_9, window_bounds = array<i64: 128, 128>}, {pipeline_mode = #tpu.pipeline_mode<synchronous>, transform_indices = @transform_10, window_bounds = array<i64: 1, 128>}, {pipeline_mode = #tpu.pipeline_mode<synchronous>, transform_indices = @transform_11, window_bounds = array<i64: 128, 128>}, {pipeline_mode = #tpu.pipeline_mode<synchronous>, transform_indices = @transform_12, window_bounds = array<i64: 128, 128>}, {pipeline_mode = #tpu.pipeline_mode<synchronous>, transform_indices = @transform_13, window_bounds = array<i64: 1, 128>}, {pipeline_mode = #tpu.pipeline_mode<synchronous>, transform_indices = @transform_14, window_bounds = array<i64: 128, 64>}, {pipeline_mode = #tpu.pipeline_mode<synchronous>, transform_indices = @transform_15, window_bounds = array<i64: 1, 64>}, {pipeline_mode = #tpu.pipeline_mode<synchronous>, transform_indices = @transform_16, window_bounds = array<i64: 128, 64>}, {pipeline_mode = #tpu.pipeline_mode<synchronous>, transform_indices = @transform_17, window_bounds = array<i64: 1, 64>}, {transform_indices = @transform_18, window_bounds = array<i64: 1000, 64>}, {transform_indices = @transform_19, window_bounds = array<i64: 1000, 64>}]} {
    %get3A = arith.constant 0 : index
    %get3A_0 = arith.constant 0 : index
    %get3A_1 = vector.load %arg4[%get3A, %get3A_0] : memref<1000x1xf32, #tpu.memory_space<vmem>>, vector<1000x1xf32>
    %get3A_2 = arith.constant 0 : index
    %get3A_3 = arith.constant 0 : index
    %get3A_4 = vector.load %arg2[%get3A_2, %get3A_3] : memref<1000x128xf32, #tpu.memory_space<vmem>>, vector<1000x128xf32>
    %get3A_5 = arith.constant 0 : index
    %get3A_6 = arith.constant 0 : index
    %get3A_7 = vector.load %arg5[%get3A_5, %get3A_6] : memref<128x128xf32, #tpu.memory_space<vmem>>, vector<128x128xf32>
    %dot_general3A = arith.constant dense<0.000000e+00> : vector<1000x128xf32>
    %dot_general3A_8 = tpu.matmul %get3A_4, %get3A_7, %dot_general3A {dimension_numbers = #tpu.dot_dimension_numbers<[1], [0], [0], [1], [0, 0, 1, 1], [], []>, precision = #tpu.contract_precision<fp32>, transpose_lhs_hint = false} : vector<1000x128xf32>, vector<128x128xf32>, vector<1000x128xf32> -> vector<1000x128xf32>
    %get3A_9 = arith.constant 0 : index
    %get3A_10 = arith.constant 0 : index
    %get3A_11 = vector.load %arg6[%get3A_9, %get3A_10] : memref<1x128xf32, #tpu.memory_space<vmem>>, vector<1x128xf32>
    %mul3A = vector.broadcast %get3A_1 : vector<1000x1xf32> to vector<1000x128xf32>
    %mul3A_12 = vector.broadcast %get3A_11 : vector<1x128xf32> to vector<1000x128xf32>
    %mul3A_13 = arith.mulf %mul3A, %mul3A_12 : vector<1000x128xf32>
    %add3A = arith.addf %dot_general3A_8, %mul3A_13 : vector<1000x128xf32>
    %get3A_14 = arith.constant 0 : index
    %get3A_15 = arith.constant 0 : index
    %get3A_16 = vector.load %arg1[%get3A_14, %get3A_15] : memref<1000x128xf32, #tpu.memory_space<vmem>>, vector<1000x128xf32>
    %get3A_17 = arith.constant 0 : index
    %get3A_18 = arith.constant 0 : index
    %get3A_19 = vector.load %arg7[%get3A_17, %get3A_18] : memref<128x128xf32, #tpu.memory_space<vmem>>, vector<128x128xf32>
    %dot_general3A_20 = arith.constant dense<0.000000e+00> : vector<1000x128xf32>
    %dot_general3A_21 = tpu.matmul %get3A_16, %get3A_19, %dot_general3A_20 {dimension_numbers = #tpu.dot_dimension_numbers<[1], [0], [0], [1], [0, 0, 1, 1], [], []>, precision = #tpu.contract_precision<fp32>, transpose_lhs_hint = false} : vector<1000x128xf32>, vector<128x128xf32>, vector<1000x128xf32> -> vector<1000x128xf32>
    %mul3A_22 = vector.broadcast %get3A_1 : vector<1000x1xf32> to vector<1000x128xf32>
    %mul3A_23 = arith.mulf %mul3A_22, %dot_general3A_21 : vector<1000x128xf32>
    %get3A_24 = arith.constant 0 : index
    %get3A_25 = arith.constant 0 : index
    %get3A_26 = vector.load %arg8[%get3A_24, %get3A_25] : memref<128x128xf32, #tpu.memory_space<vmem>>, vector<128x128xf32>
    %dot_general3A_27 = arith.constant dense<0.000000e+00> : vector<1000x128xf32>
    %dot_general3A_28 = tpu.matmul %add3A, %get3A_26, %dot_general3A_27 {dimension_numbers = #tpu.dot_dimension_numbers<[1], [0], [0], [1], [0, 0, 1, 1], [], []>, precision = #tpu.contract_precision<fp32>, transpose_lhs_hint = false} : vector<1000x128xf32>, vector<128x128xf32>, vector<1000x128xf32> -> vector<1000x128xf32>
    %add3A_29 = arith.addf %mul3A_23, %dot_general3A_28 : vector<1000x128xf32>
    %get3A_30 = arith.constant 0 : index
    %get3A_31 = arith.constant 0 : index
    %get3A_32 = vector.load %arg9[%get3A_30, %get3A_31] : memref<1x128xf32, #tpu.memory_space<vmem>>, vector<1x128xf32>
    %mul3A_33 = vector.broadcast %get3A_1 : vector<1000x1xf32> to vector<1000x128xf32>
    %mul3A_34 = vector.broadcast %get3A_32 : vector<1x128xf32> to vector<1000x128xf32>
    %mul3A_35 = arith.mulf %mul3A_33, %mul3A_34 : vector<1000x128xf32>
    %add3A_36 = arith.addf %add3A_29, %mul3A_35 : vector<1000x128xf32>
    %ge3A = arith.constant 0.000000e+00 : f32
    %ge3A_37 = vector.broadcast %ge3A : f32 to vector<1000x128xf32>
    %ge3A_38 = arith.cmpf oge, %add3A_36, %ge3A_37 : vector<1000x128xf32>
    %mul3A_39 = arith.constant 1.500000e-01 : f32
    %mul3A_40 = vector.broadcast %mul3A_39 : f32 to vector<1000x128xf32>
    %mul3A_41 = arith.mulf %mul3A_40, %add3A_36 : vector<1000x128xf32>
    %select_n3A = arith.select %ge3A_38, %add3A_36, %mul3A_41 : vector<1000x128xi1>, vector<1000x128xf32>
    %get3A_42 = arith.constant 0 : index
    %get3A_43 = arith.constant 0 : index
    %get3A_44 = vector.load %arg3[%get3A_42, %get3A_43] : memref<1000x128xf32, #tpu.memory_space<vmem>>, vector<1000x128xf32>
    %get3A_45 = arith.constant 0 : index
    %get3A_46 = arith.constant 0 : index
    %get3A_47 = vector.load %arg10[%get3A_45, %get3A_46] : memref<128x128xf32, #tpu.memory_space<vmem>>, vector<128x128xf32>
    %dot_general3A_48 = arith.constant dense<0.000000e+00> : vector<1000x128xf32>
    %dot_general3A_49 = tpu.matmul %get3A_44, %get3A_47, %dot_general3A_48 {dimension_numbers = #tpu.dot_dimension_numbers<[1], [0], [0], [1], [0, 0, 1, 1], [], []>, precision = #tpu.contract_precision<fp32>, transpose_lhs_hint = false} : vector<1000x128xf32>, vector<128x128xf32>, vector<1000x128xf32> -> vector<1000x128xf32>
    %get3A_50 = arith.constant 0 : index
    %get3A_51 = arith.constant 0 : index
    %get3A_52 = vector.load %arg11[%get3A_50, %get3A_51] : memref<1x128xf32, #tpu.memory_space<vmem>>, vector<1x128xf32>
    %mul3A_53 = vector.broadcast %get3A_1 : vector<1000x1xf32> to vector<1000x128xf32>
    %mul3A_54 = vector.broadcast %get3A_52 : vector<1x128xf32> to vector<1000x128xf32>
    %mul3A_55 = arith.mulf %mul3A_53, %mul3A_54 : vector<1000x128xf32>
    %add3A_56 = arith.addf %dot_general3A_49, %mul3A_55 : vector<1000x128xf32>
    %get3A_57 = arith.constant 0 : index
    %get3A_58 = arith.constant 0 : index
    %get3A_59 = vector.load %arg12[%get3A_57, %get3A_58] : memref<128x128xf32, #tpu.memory_space<vmem>>, vector<128x128xf32>
    %dot_general3A_60 = arith.constant dense<0.000000e+00> : vector<1000x128xf32>
    %dot_general3A_61 = tpu.matmul %select_n3A, %get3A_59, %dot_general3A_60 {dimension_numbers = #tpu.dot_dimension_numbers<[1], [0], [0], [1], [0, 0, 1, 1], [], []>, precision = #tpu.contract_precision<fp32>, transpose_lhs_hint = false} : vector<1000x128xf32>, vector<128x128xf32>, vector<1000x128xf32> -> vector<1000x128xf32>
    %mul3A_62 = vector.broadcast %get3A_1 : vector<1000x1xf32> to vector<1000x128xf32>
    %mul3A_63 = arith.mulf %mul3A_62, %dot_general3A_61 : vector<1000x128xf32>
    %get3A_64 = arith.constant 0 : index
    %get3A_65 = arith.constant 0 : index
    %get3A_66 = vector.load %arg13[%get3A_64, %get3A_65] : memref<128x128xf32, #tpu.memory_space<vmem>>, vector<128x128xf32>
    %dot_general3A_67 = arith.constant dense<0.000000e+00> : vector<1000x128xf32>
    %dot_general3A_68 = tpu.matmul %add3A_56, %get3A_66, %dot_general3A_67 {dimension_numbers = #tpu.dot_dimension_numbers<[1], [0], [0], [1], [0, 0, 1, 1], [], []>, precision = #tpu.contract_precision<fp32>, transpose_lhs_hint = false} : vector<1000x128xf32>, vector<128x128xf32>, vector<1000x128xf32> -> vector<1000x128xf32>
    %add3A_69 = arith.addf %mul3A_63, %dot_general3A_68 : vector<1000x128xf32>
    %get3A_70 = arith.constant 0 : index
    %get3A_71 = arith.constant 0 : index
    %get3A_72 = vector.load %arg14[%get3A_70, %get3A_71] : memref<1x128xf32, #tpu.memory_space<vmem>>, vector<1x128xf32>
    %mul3A_73 = vector.broadcast %get3A_1 : vector<1000x1xf32> to vector<1000x128xf32>
    %mul3A_74 = vector.broadcast %get3A_72 : vector<1x128xf32> to vector<1000x128xf32>
    %mul3A_75 = arith.mulf %mul3A_73, %mul3A_74 : vector<1000x128xf32>
    %add3A_76 = arith.addf %add3A_69, %mul3A_75 : vector<1000x128xf32>
    %ge3A_77 = arith.constant 0.000000e+00 : f32
    %ge3A_78 = vector.broadcast %ge3A_77 : f32 to vector<1000x128xf32>
    %ge3A_79 = arith.cmpf oge, %add3A_76, %ge3A_78 : vector<1000x128xf32>
    %mul3A_80 = arith.constant 1.500000e-01 : f32
    %mul3A_81 = vector.broadcast %mul3A_80 : f32 to vector<1000x128xf32>
    %mul3A_82 = arith.mulf %mul3A_81, %add3A_76 : vector<1000x128xf32>
    %select_n3A_83 = arith.select %ge3A_79, %add3A_76, %mul3A_82 : vector<1000x128xi1>, vector<1000x128xf32>
    %get3A_84 = arith.constant 0 : index
    %get3A_85 = arith.constant 0 : index
    %get3A_86 = vector.load %arg15[%get3A_84, %get3A_85] : memref<128x64xf32, #tpu.memory_space<vmem>>, vector<128x64xf32>
    %dot_general3A_87 = arith.constant dense<0.000000e+00> : vector<1000x64xf32>
    %dot_general3A_88 = tpu.matmul %select_n3A_83, %get3A_86, %dot_general3A_87 {dimension_numbers = #tpu.dot_dimension_numbers<[1], [0], [0], [1], [0, 0, 1, 1], [], []>, precision = #tpu.contract_precision<fp32>, transpose_lhs_hint = false} : vector<1000x128xf32>, vector<128x64xf32>, vector<1000x64xf32> -> vector<1000x64xf32>
    %get3A_89 = arith.constant 0 : index
    %get3A_90 = arith.constant 0 : index
    %get3A_91 = vector.load %arg16[%get3A_89, %get3A_90] : memref<1x64xf32, #tpu.memory_space<vmem>>, vector<1x64xf32>
    %add3A_92 = vector.broadcast %get3A_91 : vector<1x64xf32> to vector<1000x64xf32>
    %add3A_93 = arith.addf %dot_general3A_88, %add3A_92 : vector<1000x64xf32>
    %swap3A = arith.constant 0 : index
    %swap3A_94 = arith.constant 0 : index
    %swap3A_95 = vector.load %arg19[%swap3A, %swap3A_94] : memref<1000x64xf32, #tpu.memory_space<vmem>>, vector<1000x64xf32>
    tpu.vector_store %arg19[%swap3A, %swap3A_94], %add3A_93 {strides = array<i32>} : memref<1000x64xf32, #tpu.memory_space<vmem>>, vector<1000x64xf32>,
    %get3A_96 = arith.constant 0 : index
    %get3A_97 = arith.constant 0 : index
    %get3A_98 = vector.load %arg17[%get3A_96, %get3A_97] : memref<128x64xf32, #tpu.memory_space<vmem>>, vector<128x64xf32>
    %dot_general3A_99 = arith.constant dense<0.000000e+00> : vector<1000x64xf32>
    %dot_general3A_100 = tpu.matmul %select_n3A_83, %get3A_98, %dot_general3A_99 {dimension_numbers = #tpu.dot_dimension_numbers<[1], [0], [0], [1], [0, 0, 1, 1], [], []>, precision = #tpu.contract_precision<fp32>, transpose_lhs_hint = false} : vector<1000x128xf32>, vector<128x64xf32>, vector<1000x64xf32> -> vector<1000x64xf32>
    %get3A_101 = arith.constant 0 : index
    %get3A_102 = arith.constant 0 : index
    %get3A_103 = vector.load %arg18[%get3A_101, %get3A_102] : memref<1x64xf32, #tpu.memory_space<vmem>>, vector<1x64xf32>
    %add3A_104 = vector.broadcast %get3A_103 : vector<1x64xf32> to vector<1000x64xf32>
    %add3A_105 = arith.addf %dot_general3A_100, %add3A_104 : vector<1000x64xf32>
    %swap3A_106 = arith.constant 0 : index
    %swap3A_107 = arith.constant 0 : index
    %swap3A_108 = vector.load %arg20[%swap3A_106, %swap3A_107] : memref<1000x64xf32, #tpu.memory_space<vmem>>, vector<1000x64xf32>
    tpu.vector_store %arg20[%swap3A_106, %swap3A_107], %add3A_105 {strides = array<i32>} : memref<1000x64xf32, #tpu.memory_space<vmem>>, vector<1000x64xf32>,
    return
  }
  func.func @transform_0(%arg0: i32) -> (i32, i32) {
    %c0_i32 = arith.constant 0 : i32
    %c0_i32_0 = arith.constant 0 : i32
    return %arg0, %c0_i32 : i32, i32
  }
  func.func @transform_1(%arg0: i32) -> (i32, i32) {
    %c0_i32 = arith.constant 0 : i32
    %c0_i32_0 = arith.constant 0 : i32
    return %arg0, %c0_i32 : i32, i32
  }
  func.func @transform_2(%arg0: i32) -> (i32, i32) {
    %c0_i32 = arith.constant 0 : i32
    %c0_i32_0 = arith.constant 0 : i32
    return %arg0, %c0_i32 : i32, i32
  }
  func.func @transform_3(%arg0: i32) -> (i32, i32) {
    %c0_i32 = arith.constant 0 : i32
    %c0_i32_0 = arith.constant 0 : i32
    return %arg0, %c0_i32 : i32, i32
  }
  func.func @transform_4(%arg0: i32) -> (i32, i32) {
    %c0_i32 = arith.constant 0 : i32
    %c0_i32_0 = arith.constant 0 : i32
    %c0_i32_1 = arith.constant 0 : i32
    return %c0_i32, %c0_i32_0 : i32, i32
  }
  func.func @transform_5(%arg0: i32) -> (i32, i32) {
    %c0_i32 = arith.constant 0 : i32
    %c0_i32_0 = arith.constant 0 : i32
    %c0_i32_1 = arith.constant 0 : i32
    return %c0_i32, %c0_i32_0 : i32, i32
  }
  func.func @transform_6(%arg0: i32) -> (i32, i32) {
    %c0_i32 = arith.constant 0 : i32
    %c0_i32_0 = arith.constant 0 : i32
    %c0_i32_1 = arith.constant 0 : i32
    return %c0_i32, %c0_i32_0 : i32, i32
  }
  func.func @transform_7(%arg0: i32) -> (i32, i32) {
    %c0_i32 = arith.constant 0 : i32
    %c0_i32_0 = arith.constant 0 : i32
    %c0_i32_1 = arith.constant 0 : i32
    return %c0_i32, %c0_i32_0 : i32, i32
  }
  func.func @transform_8(%arg0: i32) -> (i32, i32) {
    %c0_i32 = arith.constant 0 : i32
    %c0_i32_0 = arith.constant 0 : i32
    %c0_i32_1 = arith.constant 0 : i32
    return %c0_i32, %c0_i32_0 : i32, i32
  }
  func.func @transform_9(%arg0: i32) -> (i32, i32) {
    %c0_i32 = arith.constant 0 : i32
    %c0_i32_0 = arith.constant 0 : i32
    %c0_i32_1 = arith.constant 0 : i32
    return %c0_i32, %c0_i32_0 : i32, i32
  }
  func.func @transform_10(%arg0: i32) -> (i32, i32) {
    %c0_i32 = arith.constant 0 : i32
    %c0_i32_0 = arith.constant 0 : i32
    %c0_i32_1 = arith.constant 0 : i32
    return %c0_i32, %c0_i32_0 : i32, i32
  }
  func.func @transform_11(%arg0: i32) -> (i32, i32) {
    %c0_i32 = arith.constant 0 : i32
    %c0_i32_0 = arith.constant 0 : i32
    %c0_i32_1 = arith.constant 0 : i32
    return %c0_i32, %c0_i32_0 : i32, i32
  }
  func.func @transform_12(%arg0: i32) -> (i32, i32) {
    %c0_i32 = arith.constant 0 : i32
    %c0_i32_0 = arith.constant 0 : i32
    %c0_i32_1 = arith.constant 0 : i32
    return %c0_i32, %c0_i32_0 : i32, i32
  }
  func.func @transform_13(%arg0: i32) -> (i32, i32) {
    %c0_i32 = arith.constant 0 : i32
    %c0_i32_0 = arith.constant 0 : i32
    %c0_i32_1 = arith.constant 0 : i32
    return %c0_i32, %c0_i32_0 : i32, i32
  }
  func.func @transform_14(%arg0: i32) -> (i32, i32) {
    %c0_i32 = arith.constant 0 : i32
    %c0_i32_0 = arith.constant 0 : i32
    %c0_i32_1 = arith.constant 0 : i32
    return %c0_i32, %c0_i32_0 : i32, i32
  }
  func.func @transform_15(%arg0: i32) -> (i32, i32) {
    %c0_i32 = arith.constant 0 : i32
    %c0_i32_0 = arith.constant 0 : i32
    %c0_i32_1 = arith.constant 0 : i32
    return %c0_i32, %c0_i32_0 : i32, i32
  }
  func.func @transform_16(%arg0: i32) -> (i32, i32) {
    %c0_i32 = arith.constant 0 : i32
    %c0_i32_0 = arith.constant 0 : i32
    %c0_i32_1 = arith.constant 0 : i32
    return %c0_i32, %c0_i32_0 : i32, i32
  }
  func.func @transform_17(%arg0: i32) -> (i32, i32) {
    %c0_i32 = arith.constant 0 : i32
    %c0_i32_0 = arith.constant 0 : i32
    %c0_i32_1 = arith.constant 0 : i32
    return %c0_i32, %c0_i32_0 : i32, i32
  }
  func.func @transform_18(%arg0: i32) -> (i32, i32) {
    %c0_i32 = arith.constant 0 : i32
    %c0_i32_0 = arith.constant 0 : i32
    return %arg0, %c0_i32 : i32, i32
  }
  func.func @transform_19(%arg0: i32) -> (i32, i32) {
    %c0_i32 = arith.constant 0 : i32
    %c0_i32_0 = arith.constant 0 : i32
    return %arg0, %c0_i32 : i32, i32
  }
}

</mosaic_0001>

<sc_bundles>
// kernel: kernel.10.cloned.1.call-start
scs
__scs_entry_jumppad:
0x0: {  	(pc) =	sbr.rel $0x88, $3  }
0x1: {  	(tag) =	ssettag $0x0;
	lr =	simm.s32 $0x1  }
0x2: {  	[smem:$0x3F8E] =	sst lr;
	_ =	strace $0xD0000000  }
0x3: {  	_ = 	snop  }
0x4: {  	_ = 	snop  }
0x5: {  	_ = 	snop  }
0x6: {  	_ = 	snop  }
0x7: {  	_ = 	snop  }
__scs_overlays_trampoline_lowered:
0x8: {  	[smem:$0x3F9D] =	sst s0  }
0x9: {  	[smem:$0x3F9E] =	sst s1  }
0xa: {  	[smem:$0x3F9F] =	sst s2  }
0xb: {  	[smem:$0x3FA0] =	sst s3  }
0xc: {  	[smem:$0x3FA1] =	sst s4  }
0xd: {  	[smem:$0x3FA2] =	sst s5  }
0xe: {  	[smem:$0x3FA3] =	sst s6  }
0xf: {  	[smem:$0x3FA4] =	sst s7  }
0x10: {  	[smem:$0x3FA5] =	sst s8  }
0x11: {  	[smem:$0x3FA6] =	sst s9;
	s0 =	simm.s32 @!p0 $0x0  }
0x12: {  	s1 =	sld [smem:$0x3F8C];
	s0 =	simm.s32 @p0 $0x1  }
0x13: {  	[smem:$0x3FA7] =	sst s0;
	s0 =	simm.s32 @!p1 $0x0  }
0x14: {  	s2 =	sld [smem:$0x3F8B];
	s0 =	simm.s32 @p1 $0x1  }
0x15: {  	[smem:$0x3FA8] =	sst s0;
	s0 =	simm.s32 @!p2 $0x0  }
0x16: {  	s3 =	sld [smem:$0x3FDB];
	s0 =	simm.s32 @p2 $0x1  }
0x17: {  	s4 =	simm.s32 $0x1BF5;
	[smem:$0x3FAA] =	sst s0  }
0x18: {  	s0 =	sld [smem:$0x3F8D];
	_ =	swait.ge [sflag:s4], $0x0  }
0x19: {  	s7 =	sld [smem:$0x3F8E]  }
0x1a: {  	s8 =	sadd.s32 $0xFFFFE003, lr  }
0x1b: {  	s9 =	sadd.s32 $0xFFFFFEF7, lr;
	s5 =	simm.s32 $0xFFFFFFFF;
	p2 =	slt.u32 s8, $0xFFFFF086  }
0x1c: {  	p1 =	slt.u32 s9, $0xF7A;
	s5 =	simm.s32 @!p2 $0x0  }
0x1d: {  	s5 =	simm.s32 @p1 $0x1;
	p0 =	seq.s32 s7, s2  }
0x1e: {  	s7 =	smul.u32 @!p0 $0xF7A, s2;
	p2 =	seq.s32 @!p0 s5, $0x0  }
0x1f: {  	s9 =	smul.u32 $0xF7A, s1;
	s8 =	simm.s32 @!p0 $0x1BF5;
	p2 =	por !p2, p0  }
0x20: {  	[sflag:s8] =	ssyncset.s32 @!p0 $0xFFFFF086;
	s6 =	sadd.s32 @!p0 s3, s7;
	s7 =	simm.s32 @!p0 $0x108  }
0x21: {  	s3 =	sadd.s32 s3, s9;
	s6 =	sadd.s32 @!p0 $0x88, s6;
	s7 =	simm.s32 @p2 $0x1082  }
0x22: {  	[simem:s7], [sflag:s8] =	dma.local @!p0 [hbm:s6], $0xF7A  }
0x23: {  	s9 =	sor.u32 $0xD0000000, s2;
	s6 =	simm.s32 $0x108;
	_ =	swait.ge @!p0 [sflag:s8], $0x0  }
0x24: {  	s3 =	sadd.s32 $0x88, s3;
	s6 =	simm.s32 @!p1 $0x1082;
	[sflag:s4] =	ssyncset.s32 $0xFFFFF086  }
0x25: {  	[simem:s6], [sflag:s4] =	dma.local [hbm:s3], $0xF7A  }
0x26: {  	[smem:$0x3F8E] =	sst s1;
	(tag) =	ssettag s2;
	_ =	strace s9  }
0x27: {  	s1 =	sld [smem:$0x3F9E]  }
0x28: {  	s2 =	sld [smem:$0x3F9F]  }
0x29: {  	s4 =	sld [smem:$0x3FA1]  }
0x2a: {  	p0 =	seq.s32 s5, $0x0;
	s5 =	sld [smem:$0x3FA2]  }
0x2b: {  	s6 =	sld [smem:$0x3FA3]  }
0x2c: {  	s7 =	sld [smem:$0x3FA4]  }
0x2d: {  	s3 =	simm.s32 $0x108;
	s8 =	sld [smem:$0x3FA5]  }
0x2e: {  	s3 =	simm.s32 @!p0 $0x1082;
	s9 =	sld [smem:$0x3FA6]  }
0x2f: {  	lr =	sadd.s32 s0, s3;
	s0 =	sld [smem:$0x3F9D]  }
0x30: {  	s3 =	sld [smem:$0x3FA0]  }
0x31: {  	[smem:$0x3FA9] =	sst s10  }
0x32: {  	s10 =	sld [smem:$0x3FA7];
	_ =	sdelay $0x3  }
0x33: {  	p0 =	seq.s32 s10, $0x1;
	s10 =	sld [smem:$0x3FA9];
	_ =	sdelay $0x3  }
0x34: {  	[smem:$0x3FA9] =	sst s10  }
0x35: {  	s10 =	sld [smem:$0x3FA8];
	_ =	sdelay $0x3  }
0x36: {  	p1 =	seq.s32 s10, $0x1;
	s10 =	sld [smem:$0x3FA9];
	_ =	sdelay $0x3  }
0x37: {  	[smem:$0x3FA9] =	sst s10  }
0x38: {  	s10 =	sld [smem:$0x3FAA]  }
0x39: {  	_ = 	snop;
	(pc) =	sbr.ind lr, $3  }
0x3a: {  	_ = 	snop  }
0x3b: {  	_ = 	snop  }
0x3c: {  	p2 =	seq.s32 s10, $0x1;
	s10 =	sld [smem:$0x3FA9]  }
0x3d: {  	_ =	shalt  }
0x3e: {  	_ =	shalt  }
0x3f: {  	_ =	shalt  }
0x40: {  	_ =	shalt  }
0x41: {  	_ =	shalt  }
0x42: {  	_ =	shalt  }
0x43: {  	_ =	shalt  }
0x44: {  	_ =	shalt  }
0x45: {  	_ =	shalt  }
0x46: {  	_ =	shalt  }
0x47: {  	_ =	shalt  }
0x48: {  	_ =	shalt  }
0x49: {  	_ =	shalt  }
0x4a: {  	_ =	shalt  }
0x4b: {  	_ =	shalt  }
0x4c: {  	_ =	shalt  }
0x4d: {  	_ =	shalt  }
0x4e: {  	_ =	shalt  }
0x4f: {  	_ =	shalt  }
0x50: {  	_ =	shalt  }
0x51: {  	_ =	shalt  }
0x52: {  	_ =	shalt  }
0x53: {  	_ =	shalt  }
0x54: {  	_ =	shalt  }
0x55: {  	_ =	shalt  }
0x56: {  	_ =	shalt  }
0x57: {  	_ =	shalt  }
0x58: {  	_ =	shalt  }
0x59: {  	_ =	shalt  }
0x5a: {  	_ =	shalt  }
0x5b: {  	_ =	shalt  }
0x5c: {  	_ =	shalt  }
0x5d: {  	_ =	shalt  }
0x5e: {  	_ =	shalt  }
0x5f: {  	_ =	shalt  }
0x60: {  	_ =	shalt  }
0x61: {  	_ =	shalt  }
0x62: {  	_ =	shalt  }
0x63: {  	_ =	shalt  }
0x64: {  	_ =	shalt  }
0x65: {  	_ =	shalt  }
0x66: {  	_ =	shalt  }
0x67: {  	_ =	shalt  }
0x68: {  	_ =	shalt  }
0x69: {  	_ =	shalt  }
0x6a: {  	_ =	shalt  }
0x6b: {  	_ =	shalt  }
0x6c: {  	_ =	shalt  }
0x6d: {  	_ =	shalt  }
0x6e: {  	_ =	shalt  }
0x6f: {  	_ =	shalt  }
0x70: {  	_ =	shalt  }
0x71: {  	_ =	shalt  }
0x72: {  	_ =	shalt  }
0x73: {  	_ =	shalt  }
0x74: {  	_ =	shalt  }
0x75: {  	_ =	shalt  }
0x76: {  	_ =	shalt  }
0x77: {  	_ =	shalt  }
0x78: {  	_ =	shalt  }
0x79: {  	_ =	shalt  }
0x7a: {  	_ =	shalt  }
0x7b: {  	_ =	shalt  }
0x7c: {  	_ =	shalt  }
0x7d: {  	_ =	shalt  }
0x7e: {  	_ =	shalt  }
0x7f: {  	_ =	shalt  }
0x80: {  	_ =	shalt  }
0x81: {  	_ =	shalt  }
0x82: {  	_ =	shalt  }
0x83: {  	_ =	shalt  }
0x84: {  	_ =	shalt  }
0x85: {  	_ =	shalt  }
0x86: {  	_ =	shalt  }
0x87: {  	_ =	shalt  }
.Lfunc_end0:
.L_simem_size_0:
called_computation.1_lowered:
.L_overlay_start_0:
0x88: {  	s2 =	sld [smem:$0x3FD9]  }
0x89: {  	s3 =	sld [smem:$0x3FFE];
	_ =	sdelay $0x1  }
0x8a: {  	s1 =	srdreg.scid  }
0x8b: {  	s0 =	sand.u32 $0x1, s1  }
0x8c: {  	s15 =	sshll.u32 s0, $0xA;
	s2 =	sadd.s32 s3, s2  }
0x8d: {  	s2 =	sadd.s32 s2, s15  }
0x8e: {  	[smem:$0x3FB5] =	sst s2  }
0x8f: {  	_ = 	snop  }
0x90: {  	s2 =	sld [smem:$0x3FD0];
	_ =	sdelay $0x2  }
0x91: {  	s16 =	simm.s32 $0xB;
	s4 =	simm.s32 $0x10  }
0x92: {  	[smem:s4], [sflag:s16] =	dma.local [hbm:s2], $0x1  }
0x93: {  	_ =	swait.eq [sflag:s16], $0x1  }
0x94: {  	[sflag:s16] =	ssyncset.done $0x0  }
0x95: {  	[sflag:s16] =	ssyncadd.s32 $0xFFFFFFFF  }
0x96: {  	s17 =	sld [smem:$0x11];
	(tm) =	ssettm $0x1  }
0x97: {  	s18 =	sld [smem:$0x3FFB];
	_ =	sdelay $0x3  }
0x98: {  	_ =	strace s18  }
0x99: {  	s2 =	sld [smem:$0x3FFC];
	_ =	sdelay $0x3  }
0x9a: {  	_ =	strace s2  }
0x9b: {  	s2 =	sld [smem:$0x3FFD];
	_ =	sdelay $0x3  }
0x9c: {  	_ =	strace s2  }
0x9d: {  	_ =	strace $0x8FFFFFFF  }
0x9e: {  	s19 =	sld [smem:$0x3FDB];
	_ =	sdelay $0x1  }
0x9f: {  	s20 =	simm.s32 $_scs_section_size  }
0xa0: {  	s5 =	simm.s32 $_size__tile_overlayer_lowered;
	s6 =	simm.s32 $_tile_overlayer_lowered  }
0xa1: {  	s7 =	simm.s32 $0x1BFF;
	s21 =	sshll.u32 s6, $0x1;
	s4 =	sadd.s32 s20, s19  }
0xa2: {  	s22 =	simm.s32 $0x0;
	s5 =	sshll.u32 s5, $0x1;
	s6 =	sadd.s32 s21, s4  }
0xa3: {  	[timem:s22], [sflag:s7] =	dma.local [hbm:s6], s5  }
0xa4: {  	_ =	swait.ge [sflag:s7], s5  }
0xa5: {  	s5 =	ssub.s32 $0x0, s5;
	[sflag:s7] =	ssyncset.done $0x0  }
0xa6: {  	[sflag:s7] =	ssyncadd.s32 s5;
	_ =	sdelay $0x1  }
0xa7: {  	s23 =	simm.s32 $0x1B8B  }
0xa8: {  	_ =	swait.ge [sflag:s23], $0x1  }
0xa9: {  	[sflag:s23] =	ssyncset.done $0x0  }
0xaa: {  	[sflag:s23] =	ssyncadd.s32 $0xFFFFFFFF  }
0xab: {  	s5 =	sld [smem:$0x0]  }
0xac: {  	s6 =	sand.u32 $0xFFFFFFFE, s1  }
0xad: {  	p0 =	sne.s32 s1, s6  }
0xae: {  	s6 =	sshll.u32 @p0 s6, $0xE  }
0xaf: {  	s6 =	sadd.s32 @p0 $0x11B8D, s6;
	s7 =	sshll.u32 @p0 s5, $0x11  }
0xb0: {  	s6 =	sor.u32 @p0 s7, s6  }
0xb1: {  	[sflag:s6] =	ssyncadd.remote.s32 @p0 $0x1;
	_ =	sdelay $0x1  }
0xb2: {  	s6 =	simm.s32 @p0 $0x1B8D  }
0xb3: {  	_ =	swait.eq @p0 [sflag:s6], $0x1  }
0xb4: {  	[sflag:s6] =	ssyncadd.s32 @p0 $0xFFFFFFFF  }
0xb5: {  	s7 =	sshll.u32 @!p0 s1, $0xE  }
0xb6: {  	s7 =	sor.u32 @!p0 $0x4000, s7;
	s6 =	simm.s32 @!p0 $0x1B8D  }
0xb7: {  	s5 =	sshll.u32 @!p0 s5, $0x11;
	s7 =	sadd.s32 @!p0 $0x11B8D, s7;
	_ =	swait.eq @!p0 [sflag:s6], $0x1  }
0xb8: {  	s5 =	sor.u32 @!p0 s5, s7;
	[sflag:s6] =	ssyncadd.s32 @!p0 $0xFFFFFFFF  }
0xb9: {  	s25 =	simm.s32 $0x1B8E;
	s24 =	sld [smem:$0x3FFE];
	[sflag:s5] =	ssyncadd.remote.s32 @!p0 $0x1  }
0xba: {  	s26 =	simm.s32 $execute0_lowered;
	[smem:$0x3FD2] =	sst s25  }
0xbb: {  	s6 =	sshll.u32 s26, $0x1;
	_ =	strace $0x80000049;
	[dreg:$0x1] =	wrdreg $0xFFFFFFFF  }
0xbc: {  	s28 =	simm.s32 $_size_execute0_lowered;
	s4 =	sadd.s32 s4, s6;
	[dreg:$0x0] =	wrdreg $0x0  }
0xbd: {  	s6 =	sshll.u32 s28, $0x1;
	[dreg:$0x2] =	wrdreg s4  }
0xbe: {  	[dreg:$0x3] =	wrdreg s6  }
0xbf: {  	[dreg:$0x4] =	wrdreg $0xC0  }
0xc0: {  	_ =	task [dreg:s22], $0x5FFFF  }
0xc1: {  	[dreg:$0x1] =	wrdreg $0xFFFFFFFF  }
0xc2: {  	[dreg:$0x0] =	wrdreg $0x60  }
0xc3: {  	[dreg:$0x2] =	wrdreg s24  }
0xc4: {  	[dreg:$0x3] =	wrdreg s17  }
0xc5: {  	[dreg:$0x4] =	wrdreg $0x132800  }
0xc6: {  	[dreg:$0x5] =	wrdreg $0xA  }
0xc7: {  	_ =	task.clear_ibuf [dreg:s22], $0x6FFFF;
	_ =	strace $0x90000049  }
0xc8: {  	s29 =	simm.s32 $0xA;
	_ =	strace $0x8000004B  }
0xc9: {  	_ =	swait.ge [sflag:s29], $0x1  }
0xca: {  	[sflag:s29] =	ssyncadd.s32 $0xFFFFFFFF  }
0xcb: {  	_ =	strace $0x9000004B  }
0xcc: {  	_ =	sfence  }
0xcd: {  	s30 =	sld [smem:$0x0];
	_ =	sdelay $0x2  }
0xce: {  	s31 =	sshll.u32 s1, $0xD;
	s1 =	sshrl.u32 s1, $0x2  }
0xcf: {  	s4 =	sand.u32 $0x4000, s31;
	s1 =	sadd.s32 s1, s30  }
0xd0: {  	s0 =	sor.u32 s4, s0;
	s1 =	sshll.u32 s1, $0x11  }
0xd1: {  	s0 =	sor.u32 s1, s0  }
0xd2: {  	s0 =	sadd.s32 $0x8F2B, s0  }
0xd3: {  	[sflag:s0] =	ssyncadd.remote.s32 $0x1  }
0xd4: {  	_ =	sfence.sel $0xFFFF  }
0xd5: {  	[dreg:$0x0] =	wrdreg $0xFFFFFFFF;
	(pc) =	sbr.abs _section_cstart, $3  }
0xd6: {  	[dreg:$0x1] =	wrdreg $0xFFFFFFFF  }
0xd7: {  	_ =	task.clear_ibuf [dreg:s22], $0x2FFFF;
	_ =	strace $0x9FFFFFFF  }
0xd8: {  	(tm) =	ssettm $0x7FFFFFFF  }
0xd9: {  	_ =	shalt  }
tec
execute0_lowered:
.L_overlay_start_1:
0x0: {  	(tag) =	ssettag $0x1  }
0x1: {  	s4 =	rddreg [dreg:$0x0]  }
0x2: {  	s10 =	rddreg [dreg:$0x1];
	s1 =	stileid.u32  }
0x3: {  	s0 =	srdreg.scid;
	s6 =	smul.u32 $0x140, s1  }
0x4: {  	s2 =	rddreg [dreg:$0x2];
	s3 =	simm.s32 $0x0;
	s7 =	smul.u32 $0x28400, s1  }
0x5: {  	s5 =	sand.u32 $0x1, s0;
	s0 =	rddreg [dreg:$0x3];
	s13 =	smul.u32 $0x28000, s1  }
0x6: {  	s17 =	simm.s32 $0x0;
	[smem:$0x7FF] =	sst s3;
	s14 =	smul.u32 $0x9C0, s1  }
0x7: {  	s11 =	sadd.s32 $0x9EFA00, s4;
	s9 =	sor.u32 $0x9C0, s1;
	s31 =	smul.u32 $0x4E000, s1  }
0x8: {  	p0 =	sgt.u32 s1, $0x3;
	s15 =	smul.u32 $0x1400, s5;
	_ =	strace $0x8000004A  }
0x9: {  	s5 =	ssub.s32 $0x2, s5;
	s26 =	sshll.u32 s9, $0x4;
	s29 =	sshll.u32 s9, $0xB  }
0xa: {  	s25 =	sshrl.u32 s5, $0x1;
	s28 =	sshrl.u32 s7, $0x2;
	s7 =	sadd.s32 s11, s29  }
0xb: {  	s30 =	sshrl.u32 s13, $0x2;
	s11 =	sadd.s32 s31, s11;
	s13 =	simm.s32 $0xDE80  }
0xc: {  	s6 =	sadd.s32 s6, s15;
	s12 =	ssub.s32 s5, s25;
	s5 =	sadd.s32 s28, s2  }
0xd: {  	s16 =	sadd.s32 s30, s2;
	v0 =	vmov s15;
	s15 =	simm.s32 $0x80;
	s6 =	sshll.u32 s6, $0x4  }
0xe: {  	s9 =	smax.u32 s12, $0x1;
	s12 =	simm.s32 $0x1;
	s16 =	sshrl.u32 s16, $0x3  }
0xf: {  	s8 =	sadd.s32 s6, s4;
	s4 =	sadd.s32 s10, s26;
	s6 =	sadd.s32 $0x5080, s5  }
0x10: {  	v1 =	vimm.f32 $0.0e+00;
	s10 =	sadd.s32 s14, s10;
	s14 =	simm.s32 $0x9E80;
	s8 =	sadd.s32 $0x3A00, s8  }
.LBB2_1:
0x11: {  	s18 =	simm.s32 $0x0;
	s19 =	simm.s32 $0x200  }
.LBB2_2:
0x12: {  	p1 =	sne.s32 s19, $0x14000;
	[tilespmem:s18+$0xDEF0] =	vst v1  }
0x13: {  	[tilespmem:s18+$0xDE80] =	vst v1  }
0x14: {  	[tilespmem:s18+$0xDE90] =	vst v1  }
.Ltmp0:
0x15: {  	[tilespmem:s18+$0xDEA0] =	vst v1;
	(pc) =	sbr.rel @p1 .LBB2_2-.Ltmp0, $4  }
0x16: {  	[tilespmem:s18+$0xDEB0] =	vst v1  }
0x17: {  	[tilespmem:s18+$0xDEC0] =	vst v1  }
0x18: {  	[tilespmem:s18+$0xDED0] =	vst v1  }
0x19: {  	[tilespmem:s18+$0xDEE0] =	vst v1;
	s18 =	sshra.s32 s19, $0x2;
	s19 =	sadd.s32 $0x200, s19  }
0x1a: {  	[tilespmem:s18+$0xDEF0] =	vst v1  }
0x1b: {  	[tilespmem:s18+$0xDE80] =	vst v1  }
0x1c: {  	[tilespmem:s18+$0xDE90] =	vst v1  }
0x1d: {  	[tilespmem:s18+$0xDEA0] =	vst v1  }
0x1e: {  	[tilespmem:s18+$0xDEB0] =	vst v1  }
0x1f: {  	[tilespmem:s18+$0xDEC0] =	vst v1  }
0x20: {  	[tilespmem:s18+$0xDED0] =	vst v1  }
0x21: {  	[tilespmem:s18+$0xDEE0] =	vst v1;
	s18 =	simm.s32 $0x0;
	s19 =	sadd.s32 $0x0, s10  }
0x22: {  	[tilespmem:s18], [sflag:$0x1] =	stream.linear.gather [hbm4b:s19+s3], $0x600, $0x38;
	[tilespmem:$0x1D380] =	vst v63  }
0x23: {  	_ =	swait.ge [sflag:s12], $0x600  }
0x24: {  	s19 =	simm.s32 $0xC0;
	[sflag:s12] =	ssyncset.done $0x0  }
.LBB2_4:
0x25: {  	s20 =	sadd.s32 s19, s10  }
0x26: {  	[sflag:s12] =	ssyncadd.s32 $0xFFFFFA00;
	s18 =	sadd.s32 $0x600, s18;
	p1 =	sne.s32 s19, $0x900  }
0x27: {  	[tilespmem:s18], [sflag:$0x1] =	stream.linear.gather [hbm4b:s20+s3], $0x600, $0x38;
	[tilespmem:$0x1D380] =	vst v63  }
.Ltmp1:
0x28: {  	_ = 	snop;
	(pc) =	sbr.rel @p1 .LBB2_4-.Ltmp1, $4  }
0x29: {  	_ = 	snop  }
0x2a: {  	s19 =	sadd.s32 $0xC0, s19  }
0x2b: {  	_ =	swait.ge [sflag:s12], $0x600  }
0x2c: {  	[sflag:s12] =	ssyncset.done $0x0  }
0x2d: {  	[sflag:s12] =	ssyncadd.s32 $0xFFFFFA00;
	s18 =	simm.s32 @!p0 $0x0;
	s19 =	simm.s32 @!p0 $0x4E00  }
0x2e: {  	[tilespmem:s19], [sflag:$0x1] =	stream.linear.gather @!p0 [hbm4b:s4+s18], $0x80, $0x38;
	[tilespmem:$0x1D380] =	vst v63  }
0x2f: {  	s18 =	simm.s32 @!p0 $0x1  }
0x30: {  	_ =	swait.ge @!p0 [sflag:s18], $0x80  }
0x31: {  	[sflag:s18] =	ssyncset.done @!p0 $0x0  }
0x32: {  	[sflag:s18] =	ssyncadd.s32 @!p0 $0xFFFFFF80;
	s18 =	simm.s32 $0x0  }
0x33: {  	v2 =	vld [tilespmem:s18+$0x70]  }
0x34: {  	v3 =	vld [tilespmem:s18+$0x0]  }
0x35: {  	v5 =	vld [tilespmem:s18+$0x10]  }
0x36: {  	v6 =	vld [tilespmem:s18+$0x20]  }
0x37: {  	v8 =	vld [tilespmem:s18+$0x40]  }
0x38: {  	v11 =	vld [tilespmem:s18+$0x50]  }
0x39: {  	v7 =	vld [tilespmem:s18+$0x30]  }
0x3a: {  	v9 =	vsub.s32 v2, v0;
	v4 =	vand.u32 $0x1F, v2  }
0x3b: {  	v2 =	vsub.s32 v3, v0;
	v12 =	vand.u32 $0x1F, v3;
	v14 =	vand.u32 $0x1F, v5  }
0x3c: {  	v15 =	vld [tilespmem:s18+$0x60];
	v3 =	vsub.s32 v6, v0;
	v17 =	vand.u32 $0x1F, v6;
	v6 =	vsub.s32 v8, v0  }
0x3d: {  	v13 =	vand.u32 $0x1F, v11;
	vm0 =	vlt.u32 v9, $0x1400;
	v10 =	vor.u32 $0x1400, v4  }
0x3e: {  	v4 =	vsub.s32 v5, v0;
	v5 =	vsub.s32 v7, v0;
	v14 =	vor.u32 $0x1400, v14  }
0x3f: {  	vm2 =	vlt.u32 v3, $0x1400;
	v16 =	vsel vm0, v9, v10;
	vm0 =	vlt.u32 v2, $0x1400  }
0x40: {  	v10 =	vand.u32 $0x1F, v7;
	v9 =	vor.u32 $0x1400, v12;
	v12 =	vand.u32 $0x1F, v8  }
0x41: {  	vm1 =	vlt.u32 v4, $0x1400;
	v7 =	vsub.s32 v11, v0;
	v8 =	vsub.s32 v15, v0  }
0x42: {  	s20 =	simm.s32 $0x400;
	s19 =	simm.s32 $0x80;
	v11 =	vand.u32 $0x1F, v15;
	v15 =	vor.u32 $0x1400, v17;
	vm3 =	vlt.u32 v5, $0x1400;
	[tilespmem:s18+$0x4EF0] =	vst v16  }
.LBB2_6:
0x43: {  	p1 =	sne.s32 s20, $0x13800;
	v16 =	vld [tilespmem:s19+$0x70];
	v10 =	vor.u32 $0x1400, v10;
	vm4 =	vlt.u32 v6, $0x1400;
	v12 =	vor.u32 $0x1400, v12  }
0x44: {  	vm5 =	vlt.u32 v7, $0x1400;
	v13 =	vor.u32 $0x1400, v13;
	vm6 =	vlt.u32 v8, $0x1400;
	v17 =	vld [tilespmem:s19+$0x0]  }
0x45: {  	v2 =	vsel vm0, v2, v9;
	v4 =	vsel vm1, v4, v14;
	v9 =	vor.u32 $0x1400, v11;
	v18 =	vld [tilespmem:s19+$0x10]  }
0x46: {  	v11 =	vld [tilespmem:s19+$0x20];
	[tilespmem:s18+$0x4E80] =	vst v2;
	v2 =	vsel vm2, v3, v15;
	v3 =	vsel vm3, v5, v10;
	v5 =	vsel vm4, v6, v12  }
0x47: {  	v7 =	vsel vm5, v7, v13;
	v8 =	vsel vm6, v8, v9;
	v6 =	vld [tilespmem:s19+$0x30];
	[tilespmem:s18+$0x4E90] =	vst v4  }
0x48: {  	v12 =	vld [tilespmem:s19+$0x40];
	v9 =	vsub.s32 v16, v0;
	v4 =	vand.u32 $0x1F, v16;
	[tilespmem:s18+$0x4EA0] =	vst v2  }
0x49: {  	v2 =	vsub.s32 v17, v0;
	v13 =	vld [tilespmem:s19+$0x50];
	vm0 =	vlt.u32 v9, $0x1400;
	v10 =	vor.u32 $0x1400, v4;
	[tilespmem:s18+$0x4EB0] =	vst v3  }
0x4a: {  	v14 =	vand.u32 $0x1F, v17;
	v4 =	vsub.s32 v18, v0;
	v15 =	vld [tilespmem:s19+$0x60];
	v9 =	vsel vm0, v9, v10;
	[tilespmem:s18+$0x4EC0] =	vst v5  }
0x4b: {  	v16 =	vand.u32 $0x1F, v18;
	v3 =	vsub.s32 v11, v0;
	v17 =	vand.u32 $0x1F, v11;
	[tilespmem:s19+$0x4EF0] =	vst v9  }
.Ltmp2:
0x4c: {  	vm0 =	vlt.u32 v2, $0x1400;
	v5 =	vsub.s32 v6, v0;
	v10 =	vand.u32 $0x1F, v6;
	[tilespmem:s18+$0x4ED0] =	vst v7;
	(pc) =	sbr.rel @p1 .LBB2_6-.Ltmp2, $4  }
0x4d: {  	v9 =	vor.u32 $0x1400, v14;
	v6 =	vsub.s32 v12, v0;
	v12 =	vand.u32 $0x1F, v12;
	[tilespmem:s18+$0x4EE0] =	vst v8;
	s18 =	smov.u32 s19  }
0x4e: {  	vm1 =	vlt.u32 v4, $0x1400;
	v7 =	vsub.s32 v13, v0;
	v13 =	vand.u32 $0x1F, v13  }
0x4f: {  	v14 =	vor.u32 $0x1400, v16;
	v8 =	vsub.s32 v15, v0;
	v11 =	vand.u32 $0x1F, v15  }
0x50: {  	vm2 =	vlt.u32 v3, $0x1400;
	s19 =	sshra.s32 s20, $0x2;
	s20 =	sadd.s32 $0x200, s20;
	vm3 =	vlt.u32 v5, $0x1400;
	v15 =	vor.u32 $0x1400, v17  }
0x51: {  	v16 =	vld [tilespmem:s19+$0x70]  }
0x52: {  	v17 =	vld [tilespmem:s19+$0x0];
	v2 =	vsel vm0, v2, v9;
	v10 =	vor.u32 $0x1400, v10  }
0x53: {  	v18 =	vld [tilespmem:s19+$0x10];
	vm14 =	vlt.u32 v6, $0x1400;
	v4 =	vsel vm1, v4, v14;
	vm15 =	vlt.u32 v7, $0x1400  }
0x54: {  	v45 =	vld [tilespmem:s19+$0x20];
	v13 =	vor.u32 $0x1400, v13;
	vm4 =	vlt.u32 v8, $0x1400;
	v47 =	vor.u32 $0x1400, v11  }
0x55: {  	v3 =	vsel vm2, v3, v15;
	[tilespmem:s18+$0x4E80] =	vst v2;
	v2 =	vor.u32 $0x1400, v12;
	v5 =	vsel vm3, v5, v10  }
0x56: {  	v49 =	vsel vm15, v7, v13;
	v46 =	vld [tilespmem:s19+$0x30];
	[tilespmem:s18+$0x4E90] =	vst v4;
	v2 =	vsel vm14, v6, v2;
	v4 =	vsel vm4, v8, v47  }
0x57: {  	v48 =	vld [tilespmem:s19+$0x40];
	[tilespmem:s18+$0x4EA0] =	vst v3;
	v3 =	vsub.s32 v16, v0;
	v50 =	vand.u32 $0x1F, v16;
	v51 =	vsub.s32 v17, v0  }
0x58: {  	v53 =	vand.u32 $0x1F, v17;
	v54 =	vsub.s32 v18, v0;
	v56 =	vand.u32 $0x1F, v18  }
0x59: {  	v57 =	vsub.s32 v45, v0;
	v9 =	vand.u32 $0x1F, v45;
	vm8 =	vlt.u32 v3, $0x1400  }
0x5a: {  	v52 =	vld [tilespmem:s19+$0x50];
	[tilespmem:s18+$0x4EB0] =	vst v5;
	v7 =	vor.u32 $0x1400, v50;
	vm9 =	vlt.u32 v51, $0x1400;
	v5 =	vor.u32 $0x1400, v53  }
0x5b: {  	v55 =	vld [tilespmem:s19+$0x60];
	[tilespmem:s18+$0x4EC0] =	vst v2;
	vm10 =	vlt.u32 v54, $0x1400;
	vm11 =	vlt.u32 v57, $0x1400;
	v3 =	vsel vm8, v3, v7  }
0x5c: {  	v60 =	vor.u32 $0x1400, v9;
	v2 =	vsub.s32 v46, v0;
	v12 =	vand.u32 $0x1F, v46;
	[tilespmem:s19+$0x4EF0] =	vst v3  }
0x5d: {  	v7 =	vor.u32 $0x1400, v56;
	v5 =	vsel vm9, v51, v5;
	v8 =	vsel vm11, v57, v60;
	[tilespmem:s18+$0x4ED0] =	vst v49  }
0x5e: {  	v3 =	vsub.s32 v48, v0;
	v10 =	vand.u32 $0x1F, v48;
	v7 =	vsel vm10, v54, v7;
	[tilespmem:s18+$0x4EE0] =	vst v4  }
0x5f: {  	vm12 =	vlt.u32 v2, $0x1400;
	v61 =	vor.u32 $0x1400, v12;
	v58 =	vsub.s32 v52, v0;
	[tilespmem:s19+$0x4E80] =	vst v5  }
0x60: {  	v11 =	vand.u32 $0x1F, v52;
	vm13 =	vlt.u32 v3, $0x1400;
	v62 =	vor.u32 $0x1400, v10;
	[tilespmem:s19+$0x4E90] =	vst v7  }
0x61: {  	v2 =	vsel vm12, v2, v61;
	v59 =	vsub.s32 v55, v0;
	v14 =	vand.u32 $0x1F, v55;
	[tilespmem:s19+$0x4EA0] =	vst v8  }
0x62: {  	vm14 =	vlt.u32 v58, $0x1400;
	v63 =	vor.u32 $0x1400, v11;
	v3 =	vsel vm13, v3, v62;
	[tilespmem:s19+$0x4EB0] =	vst v2  }
0x63: {  	vm15 =	vlt.u32 v59, $0x1400;
	v2 =	vor.u32 $0x1400, v14;
	v5 =	vsel vm14, v58, v63;
	[tilespmem:s19+$0x4EC0] =	vst v3  }
0x64: {  	v2 =	vsel vm15, v59, v2;
	[tilespmem:s19+$0x4ED0] =	vst v5  }
0x65: {  	[tilespmem:s19+$0x4EE0] =	vst v2  }
0x66: {  	[spmem:s5] =	stream.linear.scatter [tilespmem:s13], [sflag:$0x1], $0x5080, $0x38;
	[tilespmem:$0x1D380] =	vst v63  }
0x67: {  	_ =	swait.ge [sflag:s12], $0x5080  }
0x68: {  	[sflag:s12] =	ssyncset.done $0x0  }
0x69: {  	[sflag:s12] =	ssyncadd.s32 $0xFFFFAF80  }
0x6a: {  	[spmem:s6] =	stream.linear.scatter [tilespmem:s13], [sflag:$0x1], $0x5080, $0x38;
	[tilespmem:$0x1D380] =	vst v63  }
0x6b: {  	_ =	swait.ge [sflag:s12], $0x5080  }
0x6c: {  	[sflag:s12] =	ssyncset.done $0x0  }
0x6d: {  	[sflag:s12] =	ssyncadd.s32 $0xFFFFAF80  }
0x6e: {  	[bflag:$0x0] =	sbarrier.arrive $0xFFFF  }
0x6f: {  	[tilespmem:s14], [sflag:$0x1] =	stream.linear.gather [hbm4b:s11+s3], $0x4000, $0x38;
	[tilespmem:$0x1D380] =	vst v63  }
0x70: {  	_ =	swait.ge [sflag:s12], $0x4000  }
0x71: {  	[sflag:s12] =	ssyncset.done $0x0  }
0x72: {  	s31 =	simm.s32 $0x4E80;
	[sflag:s12] =	ssyncadd.s32 $0xFFFFC000  }
0x73: {  	[spmem:s2] =	stream.indirect.scatter.add.f32 [tilespmem:s14], [sflag:$0x1], $0x80, s31, s15, $0xb8;
	[tilespmem:$0x1D380] =	vst v63  }
0x74: {  	_ =	swait.ge [sflag:s12], $0x4000  }
0x75: {  	s18 =	simm.s32 $0x200;
	s19 =	smov.u32 s11;
	[sflag:s12] =	ssyncset.done $0x0  }
.LBB2_8:
0x76: {  	p1 =	sne.s32 s18, $0x13600;
	[sflag:s12] =	ssyncadd.s32 $0xFFFFC000;
	s19 =	sadd.s32 $0x800, s19  }
0x77: {  	[tilespmem:s14], [sflag:$0x1] =	stream.linear.gather [hbm4b:s19+s3], $0x4000, $0x38;
	[tilespmem:$0x1D380] =	vst v63  }
0x78: {  	s20 =	smov.u32 s18;
	s18 =	sadd.s32 $0x200, s18;
	_ =	swait.ge [sflag:s12], $0x4000  }
.Ltmp3:
0x79: {  	s20 =	sshra.s32 s20, $0x2;
	[sflag:s12] =	ssyncset.done $0x0;
	(pc) =	sbr.rel @p1 .LBB2_8-.Ltmp3, $4  }
0x7a: {  	s20 =	sadd.s32 $0x4E80, s20;
	[sflag:s12] =	ssyncadd.s32 $0xFFFFC000  }
0x7b: {  	[spmem:s2] =	stream.indirect.scatter.add.f32 [tilespmem:s14], [sflag:$0x1], $0x80, s20, s15, $0xb8;
	[tilespmem:$0x1D380] =	vst v63  }
0x7c: {  	_ =	swait.ge [sflag:s12], $0x4000  }
0x7d: {  	[sflag:s12] =	ssyncset.done $0x0  }
0x7e: {  	[sflag:s12] =	ssyncadd.s32 $0xFFFFC000;
	s18 =	simm.s32 @!p0 $0x0;
	s19 =	simm.s32 @!p0 $0x9E80  }
0x7f: {  	[tilespmem:s19], [sflag:$0x1] =	stream.linear.gather @!p0 [hbm4b:s7+s18], $0x4000, $0x38;
	[tilespmem:$0x1D380] =	vst v63  }
0x80: {  	s18 =	simm.s32 @!p0 $0x1  }
0x81: {  	_ =	swait.ge @!p0 [sflag:s18], $0x4000  }
0x82: {  	[sflag:s18] =	ssyncset.done @!p0 $0x0  }
0x83: {  	s20 =	simm.s32 @!p0 $0x80;
	s21 =	simm.s32 @!p0 $0x9C80;
	[sflag:s18] =	ssyncadd.s32 @!p0 $0xFFFFC000  }
0x84: {  	[spmem:s2] =	stream.indirect.scatter.add.f32 @!p0 [tilespmem:s19], [sflag:$0x1], $0x80, s21, s20, $0xb8;
	[tilespmem:$0x1D380] =	vst v63  }
0x85: {  	_ =	swait.ge @!p0 [sflag:s18], $0x4000  }
0x86: {  	s17 =	sadd.s32 $0x1, s17;
	[sflag:s18] =	ssyncset.done @!p0 $0x0  }
0x87: {  	s31 =	sshll.u32 s1, $0x6;
	p1 =	sne.s32 s17, s9;
	[sflag:s18] =	ssyncadd.s32 @!p0 $0xFFFFC000  }
.Ltmp4:
0x88: {  	s18 =	sor.u32 $0x1C01, s31;
	[bflag:$0x0] =	sbarrier.arrive $0xFFFF;
	(pc) =	sbr.rel @p1 .LBB2_1-.Ltmp4, $4  }
0x89: {  	[hbm:s8], [sflag:s18] =	dma.local [spmem:s16], $0x1400  }
0x8a: {  	_ =	swait.ge [sflag:s12], $0x1400  }
0x8b: {  	[sflag:s12] =	ssyncset.done $0x0  }
0x8c: {  	[sflag:s12] =	ssyncadd.s32 $0xFFFFEC00  }
0x8d: {  	_ =	sfence.sel $0x180000  }
0x8e: {  	[bflag:$0x0] =	sbarrier.arrive $0xFFFF  }
0x8f: {  	p0 =	sne.s32 s1, $0x0;
	_ =	strace $0x9000004A  }
0x90: {  	s0 =	sadd.s32 @!p0 $0x100000, s0;
	[bflag:$0x2] =	sbarrier.arrive $0xFFFF  }
0x91: {  	[sflag:s0] =	ssyncadd.tile.s32 @!p0 $0x1;
	_ =	shalt  }
.Lfunc_end2:
_tile_overlayer_lowered:
.L_overlay_start_2:
0x92: {  	(tag) =	ssettag $0x2  }
0x93: {  	s0 =	rddreg [dreg:$0x0];
	s2 =	stileid.u32  }
0x94: {  	s1 =	rddreg [dreg:$0x1];
	p0 =	sne.s32 s2, $0x0  }
0x95: {  	s3 =	rddreg [dreg:$0x2];
	[bflag:$0x3] =	sbarrier.arrive $0xFFFF;
	s2 =	simm.s32 @!p0 $0x1C01  }
0x96: {  	[timem:s3], [sflag:s2] =	dma.local @!p0 [hbm:s0], s1  }
0x97: {  	s0 =	simm.s32 @!p0 $0x1  }
0x98: {  	_ =	swait.ge @!p0 [sflag:s0], s1  }
0x99: {  	s1 =	ssub.s32 @!p0 $0x0, s1;
	[sflag:s0] =	ssyncset.done @!p0 $0x0  }
0x9a: {  	[sflag:s0] =	ssyncadd.s32 @!p0 s1  }
0x9b: {  	[bflag:$0x3] =	sbarrier.arrive $0xFFFF  }
0x9c: {  	_ =	shalt  }

// kernel: kernel.7.cloned.1.call-start
scs
__scs_entry_jumppad:
0x0: {  	(pc) =	sbr.rel $0x88, $3  }
0x1: {  	(tag) =	ssettag $0x0;
	lr =	simm.s32 $0x1  }
0x2: {  	[smem:$0x3F8E] =	sst lr;
	_ =	strace $0xD0000000  }
0x3: {  	_ = 	snop  }
0x4: {  	_ = 	snop  }
0x5: {  	_ = 	snop  }
0x6: {  	_ = 	snop  }
0x7: {  	_ = 	snop  }
__scs_overlays_trampoline_lowered:
0x8: {  	[smem:$0x3F9D] =	sst s0  }
0x9: {  	[smem:$0x3F9E] =	sst s1  }
0xa: {  	[smem:$0x3F9F] =	sst s2  }
0xb: {  	[smem:$0x3FA0] =	sst s3  }
0xc: {  	[smem:$0x3FA1] =	sst s4  }
0xd: {  	[smem:$0x3FA2] =	sst s5  }
0xe: {  	[smem:$0x3FA3] =	sst s6  }
0xf: {  	[smem:$0x3FA4] =	sst s7  }
0x10: {  	[smem:$0x3FA5] =	sst s8  }
0x11: {  	[smem:$0x3FA6] =	sst s9;
	s0 =	simm.s32 @!p0 $0x0  }
0x12: {  	s1 =	sld [smem:$0x3F8C];
	s0 =	simm.s32 @p0 $0x1  }
0x13: {  	[smem:$0x3FA7] =	sst s0;
	s0 =	simm.s32 @!p1 $0x0  }
0x14: {  	s2 =	sld [smem:$0x3F8B];
	s0 =	simm.s32 @p1 $0x1  }
0x15: {  	[smem:$0x3FA8] =	sst s0;
	s0 =	simm.s32 @!p2 $0x0  }
0x16: {  	s3 =	sld [smem:$0x3FDB];
	s0 =	simm.s32 @p2 $0x1  }
0x17: {  	s4 =	simm.s32 $0x1BF5;
	[smem:$0x3FAA] =	sst s0  }
0x18: {  	s0 =	sld [smem:$0x3F8D];
	_ =	swait.ge [sflag:s4], $0x0  }
0x19: {  	s7 =	sld [smem:$0x3F8E]  }
0x1a: {  	s8 =	sadd.s32 $0xFFFFE003, lr  }
0x1b: {  	s9 =	sadd.s32 $0xFFFFFEF7, lr;
	s5 =	simm.s32 $0xFFFFFFFF;
	p2 =	slt.u32 s8, $0xFFFFF086  }
0x1c: {  	p1 =	slt.u32 s9, $0xF7A;
	s5 =	simm.s32 @!p2 $0x0  }
0x1d: {  	s5 =	simm.s32 @p1 $0x1;
	p0 =	seq.s32 s7, s2  }
0x1e: {  	s7 =	smul.u32 @!p0 $0xF7A, s2;
	p2 =	seq.s32 @!p0 s5, $0x0  }
0x1f: {  	s9 =	smul.u32 $0xF7A, s1;
	s8 =	simm.s32 @!p0 $0x1BF5;
	p2 =	por !p2, p0  }
0x20: {  	[sflag:s8] =	ssyncset.s32 @!p0 $0xFFFFF086;
	s6 =	sadd.s32 @!p0 s3, s7;
	s7 =	simm.s32 @!p0 $0x108  }
0x21: {  	s3 =	sadd.s32 s3, s9;
	s6 =	sadd.s32 @!p0 $0x88, s6;
	s7 =	simm.s32 @p2 $0x1082  }
0x22: {  	[simem:s7], [sflag:s8] =	dma.local @!p0 [hbm:s6], $0xF7A  }
0x23: {  	s9 =	sor.u32 $0xD0000000, s2;
	s6 =	simm.s32 $0x108;
	_ =	swait.ge @!p0 [sflag:s8], $0x0  }
0x24: {  	s3 =	sadd.s32 $0x88, s3;
	s6 =	simm.s32 @!p1 $0x1082;
	[sflag:s4] =	ssyncset.s32 $0xFFFFF086  }
0x25: {  	[simem:s6], [sflag:s4] =	dma.local [hbm:s3], $0xF7A  }
0x26: {  	[smem:$0x3F8E] =	sst s1;
	(tag) =	ssettag s2;
	_ =	strace s9  }
0x27: {  	s1 =	sld [smem:$0x3F9E]  }
0x28: {  	s2 =	sld [smem:$0x3F9F]  }
0x29: {  	s4 =	sld [smem:$0x3FA1]  }
0x2a: {  	p0 =	seq.s32 s5, $0x0;
	s5 =	sld [smem:$0x3FA2]  }
0x2b: {  	s6 =	sld [smem:$0x3FA3]  }
0x2c: {  	s7 =	sld [smem:$0x3FA4]  }
0x2d: {  	s3 =	simm.s32 $0x108;
	s8 =	sld [smem:$0x3FA5]  }
0x2e: {  	s3 =	simm.s32 @!p0 $0x1082;
	s9 =	sld [smem:$0x3FA6]  }
0x2f: {  	lr =	sadd.s32 s0, s3;
	s0 =	sld [smem:$0x3F9D]  }
0x30: {  	s3 =	sld [smem:$0x3FA0]  }
0x31: {  	[smem:$0x3FA9] =	sst s10  }
0x32: {  	s10 =	sld [smem:$0x3FA7];
	_ =	sdelay $0x3  }
0x33: {  	p0 =	seq.s32 s10, $0x1;
	s10 =	sld [smem:$0x3FA9];
	_ =	sdelay $0x3  }
0x34: {  	[smem:$0x3FA9] =	sst s10  }
0x35: {  	s10 =	sld [smem:$0x3FA8];
	_ =	sdelay $0x3  }
0x36: {  	p1 =	seq.s32 s10, $0x1;
	s10 =	sld [smem:$0x3FA9];
	_ =	sdelay $0x3  }
0x37: {  	[smem:$0x3FA9] =	sst s10  }
0x38: {  	s10 =	sld [smem:$0x3FAA]  }
0x39: {  	_ = 	snop;
	(pc) =	sbr.ind lr, $3  }
0x3a: {  	_ = 	snop  }
0x3b: {  	_ = 	snop  }
0x3c: {  	p2 =	seq.s32 s10, $0x1;
	s10 =	sld [smem:$0x3FA9]  }
0x3d: {  	_ =	shalt  }
0x3e: {  	_ =	shalt  }
0x3f: {  	_ =	shalt  }
0x40: {  	_ =	shalt  }
0x41: {  	_ =	shalt  }
0x42: {  	_ =	shalt  }
0x43: {  	_ =	shalt  }
0x44: {  	_ =	shalt  }
0x45: {  	_ =	shalt  }
0x46: {  	_ =	shalt  }
0x47: {  	_ =	shalt  }
0x48: {  	_ =	shalt  }
0x49: {  	_ =	shalt  }
0x4a: {  	_ =	shalt  }
0x4b: {  	_ =	shalt  }
0x4c: {  	_ =	shalt  }
0x4d: {  	_ =	shalt  }
0x4e: {  	_ =	shalt  }
0x4f: {  	_ =	shalt  }
0x50: {  	_ =	shalt  }
0x51: {  	_ =	shalt  }
0x52: {  	_ =	shalt  }
0x53: {  	_ =	shalt  }
0x54: {  	_ =	shalt  }
0x55: {  	_ =	shalt  }
0x56: {  	_ =	shalt  }
0x57: {  	_ =	shalt  }
0x58: {  	_ =	shalt  }
0x59: {  	_ =	shalt  }
0x5a: {  	_ =	shalt  }
0x5b: {  	_ =	shalt  }
0x5c: {  	_ =	shalt  }
0x5d: {  	_ =	shalt  }
0x5e: {  	_ =	shalt  }
0x5f: {  	_ =	shalt  }
0x60: {  	_ =	shalt  }
0x61: {  	_ =	shalt  }
0x62: {  	_ =	shalt  }
0x63: {  	_ =	shalt  }
0x64: {  	_ =	shalt  }
0x65: {  	_ =	shalt  }
0x66: {  	_ =	shalt  }
0x67: {  	_ =	shalt  }
0x68: {  	_ =	shalt  }
0x69: {  	_ =	shalt  }
0x6a: {  	_ =	shalt  }
0x6b: {  	_ =	shalt  }
0x6c: {  	_ =	shalt  }
0x6d: {  	_ =	shalt  }
0x6e: {  	_ =	shalt  }
0x6f: {  	_ =	shalt  }
0x70: {  	_ =	shalt  }
0x71: {  	_ =	shalt  }
0x72: {  	_ =	shalt  }
0x73: {  	_ =	shalt  }
0x74: {  	_ =	shalt  }
0x75: {  	_ =	shalt  }
0x76: {  	_ =	shalt  }
0x77: {  	_ =	shalt  }
0x78: {  	_ =	shalt  }
0x79: {  	_ =	shalt  }
0x7a: {  	_ =	shalt  }
0x7b: {  	_ =	shalt  }
0x7c: {  	_ =	shalt  }
0x7d: {  	_ =	shalt  }
0x7e: {  	_ =	shalt  }
0x7f: {  	_ =	shalt  }
0x80: {  	_ =	shalt  }
0x81: {  	_ =	shalt  }
0x82: {  	_ =	shalt  }
0x83: {  	_ =	shalt  }
0x84: {  	_ =	shalt  }
0x85: {  	_ =	shalt  }
0x86: {  	_ =	shalt  }
0x87: {  	_ =	shalt  }
.Lfunc_end0:
.L_simem_size_0:
called_computation_lowered:
.L_overlay_start_0:
0x88: {  	s2 =	sld [smem:$0x3FD9]  }
0x89: {  	s3 =	sld [smem:$0x3FFE];
	_ =	sdelay $0x1  }
0x8a: {  	s1 =	srdreg.scid  }
0x8b: {  	s0 =	sand.u32 $0x1, s1  }
0x8c: {  	s14 =	sshll.u32 s0, $0xA;
	s2 =	sadd.s32 s3, s2  }
0x8d: {  	s2 =	sadd.s32 s2, s14  }
0x8e: {  	[smem:$0x3FB5] =	sst s2  }
0x8f: {  	_ = 	snop  }
0x90: {  	s2 =	sld [smem:$0x3FD0];
	_ =	sdelay $0x2  }
0x91: {  	s15 =	simm.s32 $0xB;
	s4 =	simm.s32 $0x10  }
0x92: {  	[smem:s4], [sflag:s15] =	dma.local [hbm:s2], $0x1  }
0x93: {  	_ =	swait.eq [sflag:s15], $0x1  }
0x94: {  	[sflag:s15] =	ssyncset.done $0x0  }
0x95: {  	s16 =	sld [smem:$0x10];
	[sflag:s15] =	ssyncadd.s32 $0xFFFFFFFF  }
0x96: {  	s17 =	sld [smem:$0x11];
	(tm) =	ssettm $0x1  }
0x97: {  	s18 =	sld [smem:$0x3FFB];
	_ =	sdelay $0x3  }
0x98: {  	_ =	strace s18  }
0x99: {  	s4 =	sld [smem:$0x3FFC];
	_ =	sdelay $0x3  }
0x9a: {  	_ =	strace s4  }
0x9b: {  	s4 =	sld [smem:$0x3FFD];
	_ =	sdelay $0x3  }
0x9c: {  	_ =	strace s4  }
0x9d: {  	_ =	strace $0x8FFFFFFF  }
0x9e: {  	s19 =	sld [smem:$0x3FDB];
	_ =	sdelay $0x1  }
0x9f: {  	s5 =	simm.s32 $_scs_section_size  }
0xa0: {  	s6 =	simm.s32 $_size__tile_overlayer_lowered;
	s7 =	simm.s32 $_tile_overlayer_lowered  }
0xa1: {  	s22 =	simm.s32 $0x1BFF;
	s21 =	sshll.u32 s7, $0x1;
	s4 =	sadd.s32 s5, s19  }
0xa2: {  	s8 =	simm.s32 $0x0;
	s20 =	sshll.u32 s6, $0x1;
	s6 =	sadd.s32 s21, s4  }
0xa3: {  	[timem:s8], [sflag:s22] =	dma.local [hbm:s6], s20  }
0xa4: {  	_ =	swait.ge [sflag:s22], s20  }
0xa5: {  	s5 =	ssub.s32 $0x0, s20;
	[sflag:s22] =	ssyncset.done $0x0  }
0xa6: {  	[sflag:s22] =	ssyncadd.s32 s5;
	_ =	sdelay $0x1  }
0xa7: {  	s23 =	simm.s32 $0x1B8B  }
0xa8: {  	_ =	swait.ge [sflag:s23], $0x1  }
0xa9: {  	[sflag:s23] =	ssyncset.done $0x0  }
0xaa: {  	s25 =	simm.s32 $0x1B8E;
	s24 =	sld [smem:$0x3FFE];
	[sflag:s23] =	ssyncadd.s32 $0xFFFFFFFF  }
0xab: {  	s26 =	simm.s32 $execute0_lowered;
	[smem:$0x3FD2] =	sst s25  }
0xac: {  	s6 =	sshll.u32 s26, $0x1;
	_ =	strace $0x80000046;
	[dreg:$0x1] =	wrdreg $0xFFFFFFFF  }
0xad: {  	s28 =	simm.s32 $_size_execute0_lowered;
	s4 =	sadd.s32 s4, s6;
	[dreg:$0x0] =	wrdreg $0x0  }
0xae: {  	s6 =	sshll.u32 s28, $0x1;
	[dreg:$0x2] =	wrdreg s4  }
0xaf: {  	[dreg:$0x3] =	wrdreg s6  }
0xb0: {  	[dreg:$0x4] =	wrdreg $0xC0  }
0xb1: {  	_ =	task [dreg:s8], $0x5FFFF  }
0xb2: {  	[dreg:$0x1] =	wrdreg $0xFFFFFFFF  }
0xb3: {  	[dreg:$0x0] =	wrdreg $0x60  }
0xb4: {  	[dreg:$0x2] =	wrdreg s24  }
0xb5: {  	[dreg:$0x3] =	wrdreg s17  }
0xb6: {  	[dreg:$0x4] =	wrdreg s16  }
0xb7: {  	[dreg:$0x5] =	wrdreg $0x132800  }
0xb8: {  	[dreg:$0x6] =	wrdreg $0x1D6800  }
0xb9: {  	[dreg:$0x7] =	wrdreg $0x9  }
0xba: {  	_ =	task.clear_ibuf [dreg:s8], $0x8FFFF;
	_ =	strace $0x90000046  }
0xbb: {  	s29 =	simm.s32 $0x9;
	_ =	strace $0x80000048  }
0xbc: {  	_ =	swait.ge [sflag:s29], $0x1  }
0xbd: {  	[sflag:s29] =	ssyncadd.s32 $0xFFFFFFFF  }
0xbe: {  	_ =	strace $0x90000048  }
0xbf: {  	_ =	sfence  }
0xc0: {  	s30 =	sld [smem:$0x0];
	_ =	sdelay $0x2  }
0xc1: {  	s31 =	sshll.u32 s1, $0xD;
	s1 =	sshrl.u32 s1, $0x2  }
0xc2: {  	s3 =	sand.u32 $0x4000, s31;
	s1 =	sadd.s32 s1, s30  }
0xc3: {  	s0 =	sor.u32 s3, s0;
	s1 =	sshll.u32 s1, $0x11  }
0xc4: {  	s0 =	sor.u32 s1, s0  }
0xc5: {  	s0 =	sadd.s32 $0x8F2B, s0  }
0xc6: {  	[sflag:s0] =	ssyncadd.remote.s32 $0x1  }
0xc7: {  	_ =	sfence.sel $0xFFFF  }
0xc8: {  	[dreg:$0x0] =	wrdreg $0xFFFFFFFF;
	(pc) =	sbr.abs _section_cstart, $3  }
0xc9: {  	[dreg:$0x1] =	wrdreg $0xFFFFFFFF  }
0xca: {  	_ =	task.clear_ibuf [dreg:s8], $0x2FFFF;
	_ =	strace $0x9FFFFFFF  }
0xcb: {  	(tm) =	ssettm $0x7FFFFFFF  }
tec
execute0_lowered:
.L_overlay_start_1:
0x0: {  	(tag) =	ssettag $0x1  }
0x1: {  	s5 =	rddreg [dreg:$0x0]  }
0x2: {  	s14 =	rddreg [dreg:$0x1]  }
0x3: {  	s12 =	rddreg [dreg:$0x2]  }
0x4: {  	s2 =	rddreg [dreg:$0x3];
	s1 =	stileid.u32  }
0x5: {  	s0 =	srdreg.scid;
	s7 =	smul.u32 $0x140, s1  }
0x6: {  	s3 =	rddreg [dreg:$0x4];
	s8 =	smul.u32 $0x28400, s1  }
0x7: {  	s4 =	simm.s32 $0x0;
	s19 =	simm.s32 $0x80;
	s9 =	smul.u32 $0xA00, s1  }
0x8: {  	s6 =	sand.u32 $0x1, s0;
	s0 =	rddreg [dreg:$0x5];
	s16 =	smul.u32 $0x28000, s1  }
0x9: {  	s20 =	simm.s32 $0x1D380;
	[smem:$0x7FF] =	sst s4;
	s17 =	smul.u32 $0x280, s1  }
0xa: {  	s15 =	sadd.s32 $0x4E5A00, s5;
	s10 =	sor.u32 $0x9C0, s1;
	s18 =	smul.u32 $0x9C0, s1  }
0xb: {  	s31 =	smul.u32 $0x4E000, s1;
	p0 =	sgt.u32 s1, $0x7;
	p1 =	sgt.u32 s1, $0x3  }
0xc: {  	s21 =	smul.u32 $0x1400, s6;
	_ =	strace $0x80000047;
	s6 =	ssub.s32 $0x2, s6  }
0xd: {  	s29 =	sshll.u32 s10, $0x4;
	s10 =	sshll.u32 s10, $0xB;
	p2 =	sne.s32 @p0 s1, $0x8  }
0xe: {  	s26 =	sshrl.u32 s6, $0x1;
	s28 =	sshrl.u32 s8, $0x2;
	s8 =	sadd.s32 $0x1400, s3  }
0xf: {  	s9 =	sshrl.u32 s9, $0x2;
	s16 =	sshrl.u32 s16, $0x2;
	s10 =	sadd.s32 s15, s10  }
0x10: {  	s23 =	sadd.s32 s17, s3;
	s15 =	sadd.s32 s31, s15;
	p2 =	por p2, !p0  }
0x11: {  	s7 =	sadd.s32 s7, s21;
	s13 =	ssub.s32 s6, s26;
	s6 =	sadd.s32 s14, s29  }
0x12: {  	s9 =	sadd.s32 s9, s3;
	s22 =	sadd.s32 s16, s2;
	s30 =	sadd.s32 s17, s21  }
0x13: {  	s14 =	sadd.s32 s18, s14;
	s17 =	simm.s32 $0xDE80;
	s18 =	simm.s32 $0x9E80  }
0x14: {  	s7 =	sshll.u32 s7, $0x4;
	s16 =	sshrl.u32 s30, $0x3;
	s13 =	smax.u32 s13, $0x1  }
0x15: {  	v0 =	vmov s21;
	s21 =	sshrl.u32 s22, $0x3;
	s22 =	sshrl.u32 @!p0 s23, $0x3;
	s23 =	simm.s32 $0x0  }
0x16: {  	s11 =	sadd.s32 s7, s5;
	s5 =	sadd.s32 s28, s2;
	s12 =	sadd.s32 s12, s16  }
0x17: {  	v1 =	vimm.f32 $0.0e+00;
	v2 =	vimm.f32 $1.000000000e+00;
	s16 =	simm.s32 $0x1;
	s7 =	sadd.s32 $0x5080, s5;
	s11 =	sadd.s32 $0x9C7A00, s11  }
.LBB2_1:
0x18: {  	s24 =	simm.s32 $0x0;
	s25 =	simm.s32 $0x200  }
.LBB2_2:
0x19: {  	p3 =	sne.s32 s25, $0x14000;
	[tilespmem:s24+$0xDEF0] =	vst v1  }
0x1a: {  	[tilespmem:s24+$0xDE80] =	vst v1  }
0x1b: {  	[tilespmem:s24+$0xDE90] =	vst v1  }
.Ltmp0:
0x1c: {  	[tilespmem:s24+$0xDEA0] =	vst v1;
	(pc) =	sbr.rel @p3 .LBB2_2-.Ltmp0, $4  }
0x1d: {  	[tilespmem:s24+$0xDEB0] =	vst v1  }
0x1e: {  	[tilespmem:s24+$0xDEC0] =	vst v1  }
0x1f: {  	[tilespmem:s24+$0xDED0] =	vst v1  }
0x20: {  	[tilespmem:s24+$0xDEE0] =	vst v1;
	s24 =	sshra.s32 s25, $0x2;
	s25 =	sadd.s32 $0x200, s25  }
0x21: {  	[tilespmem:s24+$0xDEF0] =	vst v1  }
0x22: {  	[tilespmem:s24+$0xDE80] =	vst v1  }
0x23: {  	[tilespmem:s24+$0xDE90] =	vst v1  }
0x24: {  	[tilespmem:s24+$0xDEA0] =	vst v1  }
0x25: {  	[tilespmem:s24+$0xDEB0] =	vst v1  }
0x26: {  	[tilespmem:s24+$0xDEC0] =	vst v1  }
0x27: {  	[tilespmem:s24+$0xDED0] =	vst v1  }
0x28: {  	[tilespmem:s24+$0xDEE0] =	vst v1  }
0x29: {  	[tilespmem:$0x1D400] =	vst v1  }
0x2a: {  	[tilespmem:$0x1D410] =	vst v1  }
0x2b: {  	[tilespmem:$0x1D420] =	vst v1  }
0x2c: {  	[tilespmem:$0x1D430] =	vst v1  }
0x2d: {  	[tilespmem:$0x1D440] =	vst v1  }
0x2e: {  	[tilespmem:$0x1D450] =	vst v1  }
0x2f: {  	[tilespmem:$0x1D460] =	vst v1  }
0x30: {  	[tilespmem:$0x1D470] =	vst v1  }
0x31: {  	[tilespmem:$0x1D480] =	vst v1  }
0x32: {  	[tilespmem:$0x1D490] =	vst v1  }
0x33: {  	[tilespmem:$0x1D4A0] =	vst v1  }
0x34: {  	[tilespmem:$0x1D4B0] =	vst v1  }
0x35: {  	[tilespmem:$0x1D4C0] =	vst v1  }
0x36: {  	[tilespmem:$0x1D4D0] =	vst v1  }
0x37: {  	[tilespmem:$0x1D4E0] =	vst v1  }
0x38: {  	[tilespmem:$0x1D4F0] =	vst v1  }
0x39: {  	[tilespmem:$0x1D500] =	vst v1  }
0x3a: {  	[tilespmem:$0x1D510] =	vst v1  }
0x3b: {  	[tilespmem:$0x1D520] =	vst v1  }
0x3c: {  	[tilespmem:$0x1D530] =	vst v1  }
0x3d: {  	[tilespmem:$0x1D540] =	vst v1  }
0x3e: {  	[tilespmem:$0x1D550] =	vst v1  }
0x3f: {  	[tilespmem:$0x1D560] =	vst v1  }
0x40: {  	[tilespmem:$0x1D570] =	vst v1  }
0x41: {  	[tilespmem:$0x1D580] =	vst v1  }
0x42: {  	[tilespmem:$0x1D590] =	vst v1  }
0x43: {  	[tilespmem:$0x1D5A0] =	vst v1  }
0x44: {  	[tilespmem:$0x1D5B0] =	vst v1  }
0x45: {  	[tilespmem:$0x1D5C0] =	vst v1  }
0x46: {  	[tilespmem:$0x1D5D0] =	vst v1  }
0x47: {  	[tilespmem:$0x1D5E0] =	vst v1  }
0x48: {  	[tilespmem:$0x1D5F0] =	vst v1  }
0x49: {  	[tilespmem:$0x1D600] =	vst v1  }
0x4a: {  	[tilespmem:$0x1D610] =	vst v1  }
0x4b: {  	[tilespmem:$0x1D620] =	vst v1  }
0x4c: {  	[tilespmem:$0x1D630] =	vst v1  }
0x4d: {  	[tilespmem:$0x1D640] =	vst v1  }
0x4e: {  	[tilespmem:$0x1D650] =	vst v1  }
0x4f: {  	[tilespmem:$0x1D660] =	vst v1  }
0x50: {  	[tilespmem:$0x1D670] =	vst v1  }
0x51: {  	[tilespmem:$0x1D380] =	vst v2  }
0x52: {  	[tilespmem:$0x1D390] =	vst v2  }
0x53: {  	[tilespmem:$0x1D3A0] =	vst v2  }
0x54: {  	[tilespmem:$0x1D3B0] =	vst v2  }
0x55: {  	[tilespmem:$0x1D3C0] =	vst v2  }
0x56: {  	[tilespmem:$0x1D3D0] =	vst v2  }
0x57: {  	[tilespmem:$0x1D3E0] =	vst v2  }
0x58: {  	s24 =	simm.s32 $0x0;
	s25 =	sadd.s32 $0x0, s14;
	[tilespmem:$0x1D3F0] =	vst v2  }
0x59: {  	[tilespmem:s24], [sflag:$0x1] =	stream.linear.gather [hbm4b:s25+s4], $0x600, $0x38;
	[tilespmem:$0x1D7C8] =	vst v63  }
0x5a: {  	_ =	swait.ge [sflag:s16], $0x600  }
0x5b: {  	s25 =	simm.s32 $0xC0;
	[sflag:s16] =	ssyncset.done $0x0  }
.LBB2_4:
0x5c: {  	s26 =	sadd.s32 s25, s14  }
0x5d: {  	[sflag:s16] =	ssyncadd.s32 $0xFFFFFA00;
	s24 =	sadd.s32 $0x600, s24;
	p3 =	sne.s32 s25, $0x900  }
0x5e: {  	[tilespmem:s24], [sflag:$0x1] =	stream.linear.gather [hbm4b:s26+s4], $0x600, $0x38;
	[tilespmem:$0x1D7C8] =	vst v63  }
.Ltmp1:
0x5f: {  	_ = 	snop;
	(pc) =	sbr.rel @p3 .LBB2_4-.Ltmp1, $4  }
0x60: {  	_ = 	snop  }
0x61: {  	s25 =	sadd.s32 $0xC0, s25  }
0x62: {  	_ =	swait.ge [sflag:s16], $0x600  }
0x63: {  	[sflag:s16] =	ssyncset.done $0x0  }
0x64: {  	[sflag:s16] =	ssyncadd.s32 $0xFFFFFA00;
	s24 =	simm.s32 @!p1 $0x0;
	s25 =	simm.s32 @!p1 $0x4E00  }
0x65: {  	[tilespmem:s25], [sflag:$0x1] =	stream.linear.gather @!p1 [hbm4b:s6+s24], $0x80, $0x38;
	[tilespmem:$0x1D7C8] =	vst v63  }
0x66: {  	s24 =	simm.s32 @!p1 $0x1  }
0x67: {  	_ =	swait.ge @!p1 [sflag:s24], $0x80  }
0x68: {  	[sflag:s24] =	ssyncset.done @!p1 $0x0  }
0x69: {  	[sflag:s24] =	ssyncadd.s32 @!p1 $0xFFFFFF80;
	s24 =	simm.s32 $0x0  }
0x6a: {  	v3 =	vld [tilespmem:s24+$0x70]  }
0x6b: {  	v4 =	vld [tilespmem:s24+$0x0]  }
0x6c: {  	v6 =	vld [tilespmem:s24+$0x10]  }
0x6d: {  	v7 =	vld [tilespmem:s24+$0x20]  }
0x6e: {  	v9 =	vld [tilespmem:s24+$0x40]  }
0x6f: {  	v12 =	vld [tilespmem:s24+$0x50]  }
0x70: {  	v8 =	vld [tilespmem:s24+$0x30]  }
0x71: {  	v10 =	vsub.s32 v3, v0;
	v5 =	vand.u32 $0x1F, v3  }
0x72: {  	v3 =	vsub.s32 v4, v0;
	v13 =	vand.u32 $0x1F, v4;
	v15 =	vand.u32 $0x1F, v6  }
0x73: {  	v16 =	vld [tilespmem:s24+$0x60];
	v4 =	vsub.s32 v7, v0;
	v18 =	vand.u32 $0x1F, v7;
	v7 =	vsub.s32 v9, v0  }
0x74: {  	v14 =	vand.u32 $0x1F, v12;
	vm0 =	vlt.u32 v10, $0x1400;
	v11 =	vor.u32 $0x1400, v5  }
0x75: {  	v5 =	vsub.s32 v6, v0;
	v6 =	vsub.s32 v8, v0;
	v15 =	vor.u32 $0x1400, v15  }
0x76: {  	vm2 =	vlt.u32 v4, $0x1400;
	v17 =	vsel vm0, v10, v11;
	vm0 =	vlt.u32 v3, $0x1400  }
0x77: {  	v11 =	vand.u32 $0x1F, v8;
	v10 =	vor.u32 $0x1400, v13;
	v13 =	vand.u32 $0x1F, v9  }
0x78: {  	vm1 =	vlt.u32 v5, $0x1400;
	v8 =	vsub.s32 v12, v0;
	v9 =	vsub.s32 v16, v0  }
0x79: {  	s26 =	simm.s32 $0x400;
	s25 =	simm.s32 $0x80;
	v12 =	vand.u32 $0x1F, v16;
	v16 =	vor.u32 $0x1400, v18;
	vm3 =	vlt.u32 v6, $0x1400;
	[tilespmem:s24+$0x4EF0] =	vst v17  }
.LBB2_6:
0x7a: {  	p3 =	sne.s32 s26, $0x13800;
	v17 =	vld [tilespmem:s25+$0x70];
	v11 =	vor.u32 $0x1400, v11;
	vm4 =	vlt.u32 v7, $0x1400;
	v13 =	vor.u32 $0x1400, v13  }
0x7b: {  	vm5 =	vlt.u32 v8, $0x1400;
	v14 =	vor.u32 $0x1400, v14;
	vm6 =	vlt.u32 v9, $0x1400;
	v18 =	vld [tilespmem:s25+$0x0]  }
0x7c: {  	v3 =	vsel vm0, v3, v10;
	v5 =	vsel vm1, v5, v15;
	v10 =	vor.u32 $0x1400, v12;
	v19 =	vld [tilespmem:s25+$0x10]  }
0x7d: {  	v12 =	vld [tilespmem:s25+$0x20];
	[tilespmem:s24+$0x4E80] =	vst v3;
	v3 =	vsel vm2, v4, v16;
	v4 =	vsel vm3, v6, v11;
	v6 =	vsel vm4, v7, v13  }
0x7e: {  	v8 =	vsel vm5, v8, v14;
	v9 =	vsel vm6, v9, v10;
	v7 =	vld [tilespmem:s25+$0x30];
	[tilespmem:s24+$0x4E90] =	vst v5  }
0x7f: {  	v13 =	vld [tilespmem:s25+$0x40];
	v10 =	vsub.s32 v17, v0;
	v5 =	vand.u32 $0x1F, v17;
	[tilespmem:s24+$0x4EA0] =	vst v3  }
0x80: {  	v3 =	vsub.s32 v18, v0;
	v14 =	vld [tilespmem:s25+$0x50];
	vm0 =	vlt.u32 v10, $0x1400;
	v11 =	vor.u32 $0x1400, v5;
	[tilespmem:s24+$0x4EB0] =	vst v4  }
0x81: {  	v15 =	vand.u32 $0x1F, v18;
	v5 =	vsub.s32 v19, v0;
	v16 =	vld [tilespmem:s25+$0x60];
	v10 =	vsel vm0, v10, v11;
	[tilespmem:s24+$0x4EC0] =	vst v6  }
0x82: {  	v17 =	vand.u32 $0x1F, v19;
	v4 =	vsub.s32 v12, v0;
	v18 =	vand.u32 $0x1F, v12;
	[tilespmem:s25+$0x4EF0] =	vst v10  }
.Ltmp2:
0x83: {  	vm0 =	vlt.u32 v3, $0x1400;
	v6 =	vsub.s32 v7, v0;
	v11 =	vand.u32 $0x1F, v7;
	[tilespmem:s24+$0x4ED0] =	vst v8;
	(pc) =	sbr.rel @p3 .LBB2_6-.Ltmp2, $4  }
0x84: {  	v10 =	vor.u32 $0x1400, v15;
	v7 =	vsub.s32 v13, v0;
	v13 =	vand.u32 $0x1F, v13;
	[tilespmem:s24+$0x4EE0] =	vst v9;
	s24 =	smov.u32 s25  }
0x85: {  	vm1 =	vlt.u32 v5, $0x1400;
	v8 =	vsub.s32 v14, v0;
	v14 =	vand.u32 $0x1F, v14  }
0x86: {  	v15 =	vor.u32 $0x1400, v17;
	v9 =	vsub.s32 v16, v0;
	v12 =	vand.u32 $0x1F, v16  }
0x87: {  	vm2 =	vlt.u32 v4, $0x1400;
	s25 =	sshra.s32 s26, $0x2;
	s26 =	sadd.s32 $0x200, s26;
	vm3 =	vlt.u32 v6, $0x1400;
	v16 =	vor.u32 $0x1400, v18  }
0x88: {  	v17 =	vld [tilespmem:s25+$0x70]  }
0x89: {  	v18 =	vld [tilespmem:s25+$0x0];
	v3 =	vsel vm0, v3, v10;
	v11 =	vor.u32 $0x1400, v11  }
0x8a: {  	v19 =	vld [tilespmem:s25+$0x10];
	vm14 =	vlt.u32 v7, $0x1400;
	v5 =	vsel vm1, v5, v15;
	vm15 =	vlt.u32 v8, $0x1400  }
0x8b: {  	v43 =	vld [tilespmem:s25+$0x20];
	v14 =	vor.u32 $0x1400, v14;
	vm4 =	vlt.u32 v9, $0x1400;
	v45 =	vor.u32 $0x1400, v12  }
0x8c: {  	v4 =	vsel vm2, v4, v16;
	[tilespmem:s24+$0x4E80] =	vst v3;
	v3 =	vor.u32 $0x1400, v13;
	v6 =	vsel vm3, v6, v11  }
0x8d: {  	v47 =	vsel vm15, v8, v14;
	v44 =	vld [tilespmem:s25+$0x30];
	[tilespmem:s24+$0x4E90] =	vst v5;
	v3 =	vsel vm14, v7, v3;
	v5 =	vsel vm4, v9, v45  }
0x8e: {  	v48 =	vsub.s32 v17, v0;
	v49 =	vand.u32 $0x1F, v17;
	v50 =	vsub.s32 v18, v0  }
0x8f: {  	v52 =	vand.u32 $0x1F, v18;
	v53 =	vsub.s32 v19, v0;
	v55 =	vand.u32 $0x1F, v19  }
0x90: {  	v46 =	vld [tilespmem:s25+$0x40];
	[tilespmem:s24+$0x4EA0] =	vst v4;
	v56 =	vsub.s32 v43, v0;
	v10 =	vand.u32 $0x1F, v43;
	vm8 =	vlt.u32 v48, $0x1400  }
0x91: {  	v51 =	vld [tilespmem:s25+$0x50];
	[tilespmem:s24+$0x4EB0] =	vst v6;
	v8 =	vor.u32 $0x1400, v49;
	vm9 =	vlt.u32 v50, $0x1400;
	v6 =	vor.u32 $0x1400, v52  }
0x92: {  	v54 =	vld [tilespmem:s25+$0x60];
	[tilespmem:s24+$0x4EC0] =	vst v3;
	vm10 =	vlt.u32 v53, $0x1400;
	vm11 =	vlt.u32 v56, $0x1400;
	v4 =	vsel vm8, v48, v8  }
0x93: {  	v60 =	vor.u32 $0x1400, v10;
	v3 =	vsub.s32 v44, v0;
	v13 =	vand.u32 $0x1F, v44;
	[tilespmem:s25+$0x4EF0] =	vst v4  }
0x94: {  	v8 =	vor.u32 $0x1400, v55;
	v6 =	vsel vm9, v50, v6;
	v9 =	vsel vm11, v56, v60;
	[tilespmem:s24+$0x4ED0] =	vst v47  }
0x95: {  	v57 =	vsub.s32 v46, v0;
	v11 =	vand.u32 $0x1F, v46;
	v8 =	vsel vm10, v53, v8;
	[tilespmem:s24+$0x4EE0] =	vst v5  }
0x96: {  	vm12 =	vlt.u32 v3, $0x1400;
	v61 =	vor.u32 $0x1400, v13;
	v58 =	vsub.s32 v51, v0;
	[tilespmem:s25+$0x4E80] =	vst v6  }
0x97: {  	v12 =	vand.u32 $0x1F, v51;
	vm13 =	vlt.u32 v57, $0x1400;
	v62 =	vor.u32 $0x1400, v11;
	[tilespmem:s25+$0x4E90] =	vst v8  }
0x98: {  	v3 =	vsel vm12, v3, v61;
	v59 =	vsub.s32 v54, v0;
	v15 =	vand.u32 $0x1F, v54;
	[tilespmem:s25+$0x4EA0] =	vst v9  }
0x99: {  	vm14 =	vlt.u32 v58, $0x1400;
	v63 =	vor.u32 $0x1400, v12;
	v4 =	vsel vm13, v57, v62;
	[tilespmem:s25+$0x4EB0] =	vst v3  }
0x9a: {  	vm15 =	vlt.u32 v59, $0x1400;
	v3 =	vor.u32 $0x1400, v15;
	v6 =	vsel vm14, v58, v63;
	[tilespmem:s25+$0x4EC0] =	vst v4  }
0x9b: {  	v3 =	vsel vm15, v59, v3;
	[tilespmem:s25+$0x4ED0] =	vst v6  }
0x9c: {  	[tilespmem:s25+$0x4EE0] =	vst v3  }
0x9d: {  	[spmem:s5] =	stream.linear.scatter [tilespmem:s17], [sflag:$0x1], $0x5080, $0x38;
	[tilespmem:$0x1D7C8] =	vst v63  }
0x9e: {  	_ =	swait.ge [sflag:s16], $0x5080  }
0x9f: {  	[sflag:s16] =	ssyncset.done $0x0  }
0xa0: {  	[sflag:s16] =	ssyncadd.s32 $0xFFFFAF80  }
0xa1: {  	[spmem:s7] =	stream.linear.scatter [tilespmem:s17], [sflag:$0x1], $0x5080, $0x38;
	[tilespmem:$0x1D7C8] =	vst v63  }
0xa2: {  	_ =	swait.ge [sflag:s16], $0x5080  }
0xa3: {  	[sflag:s16] =	ssyncset.done $0x0  }
0xa4: {  	s24 =	simm.s32 @!p2 $0x1D400;
	[sflag:s16] =	ssyncadd.s32 $0xFFFFAF80  }
0xa5: {  	[spmem:s8] =	stream.linear.scatter @!p2 [tilespmem:s24], [sflag:$0x1], $0x80, $0x38;
	[tilespmem:$0x1D7C8] =	vst v63  }
0xa6: {  	s24 =	simm.s32 @!p2 $0x1  }
0xa7: {  	_ =	swait.ge @!p2 [sflag:s24], $0x80  }
0xa8: {  	[sflag:s24] =	ssyncset.done @!p2 $0x0  }
0xa9: {  	[sflag:s24] =	ssyncadd.s32 @!p2 $0xFFFFFF80;
	s24 =	simm.s32 @!p0 $0x1D400  }
0xaa: {  	[spmem:s9] =	stream.linear.scatter @!p0 [tilespmem:s24], [sflag:$0x1], $0x280, $0x38;
	[tilespmem:$0x1D7C8] =	vst v63  }
0xab: {  	s24 =	simm.s32 @!p0 $0x1  }
0xac: {  	_ =	swait.ge @!p0 [sflag:s24], $0x280  }
0xad: {  	[sflag:s24] =	ssyncset.done @!p0 $0x0  }
0xae: {  	[sflag:s24] =	ssyncadd.s32 @!p0 $0xFFFFFD80  }
0xaf: {  	[bflag:$0x0] =	sbarrier.arrive $0xFFFF  }
0xb0: {  	[tilespmem:s18], [sflag:$0x1] =	stream.linear.gather [hbm4b:s15+s4], $0x4000, $0x38;
	[tilespmem:$0x1D7C8] =	vst v63  }
0xb1: {  	_ =	swait.ge [sflag:s16], $0x4000  }
0xb2: {  	[sflag:s16] =	ssyncset.done $0x0  }
0xb3: {  	s31 =	simm.s32 $0x4E80;
	[sflag:s16] =	ssyncadd.s32 $0xFFFFC000  }
0xb4: {  	[spmem:s2] =	stream.indirect.scatter.add.f32 [tilespmem:s18], [sflag:$0x1], $0x80, s31, s19, $0xb8;
	[tilespmem:$0x1D7C8] =	vst v63  }
0xb5: {  	_ =	swait.ge [sflag:s16], $0x4000  }
0xb6: {  	[sflag:s16] =	ssyncset.done $0x0  }
0xb7: {  	[sflag:s16] =	ssyncadd.s32 $0xFFFFC000  }
0xb8: {  	[spmem:s3] =	stream.indirect.scatter.add.f32 [tilespmem:s20], [sflag:$0x1], $0x1, s31, s19, $0xb8;
	[tilespmem:$0x1D7C8] =	vst v63  }
0xb9: {  	_ =	swait.ge [sflag:s16], $0x80  }
0xba: {  	s25 =	smov.u32 s15;
	s24 =	simm.s32 $0x200;
	[sflag:s16] =	ssyncset.done $0x0  }
.LBB2_8:
0xbb: {  	p3 =	sne.s32 s24, $0x13600;
	[sflag:s16] =	ssyncadd.s32 $0xFFFFFF80;
	s25 =	sadd.s32 $0x800, s25  }
0xbc: {  	[tilespmem:s18], [sflag:$0x1] =	stream.linear.gather [hbm4b:s25+s4], $0x4000, $0x38;
	[tilespmem:$0x1D7C8] =	vst v63  }
0xbd: {  	s26 =	smov.u32 s24;
	s24 =	sadd.s32 $0x200, s24;
	_ =	swait.ge [sflag:s16], $0x4000  }
0xbe: {  	s26 =	sshra.s32 s26, $0x2;
	[sflag:s16] =	ssyncset.done $0x0  }
0xbf: {  	s26 =	sadd.s32 $0x4E80, s26;
	[sflag:s16] =	ssyncadd.s32 $0xFFFFC000  }
0xc0: {  	[spmem:s2] =	stream.indirect.scatter.add.f32 [tilespmem:s18], [sflag:$0x1], $0x80, s26, s19, $0xb8;
	[tilespmem:$0x1D7C8] =	vst v63  }
0xc1: {  	_ =	swait.ge [sflag:s16], $0x4000  }
.Ltmp3:
0xc2: {  	[sflag:s16] =	ssyncset.done $0x0;
	(pc) =	sbr.rel @p3 .LBB2_8-.Ltmp3, $4  }
0xc3: {  	[sflag:s16] =	ssyncadd.s32 $0xFFFFC000  }
0xc4: {  	[spmem:s3] =	stream.indirect.scatter.add.f32 [tilespmem:s20], [sflag:$0x1], $0x1, s26, s19, $0xb8;
	[tilespmem:$0x1D7C8] =	vst v63  }
0xc5: {  	_ =	swait.ge [sflag:s16], $0x80  }
0xc6: {  	[sflag:s16] =	ssyncset.done $0x0  }
0xc7: {  	[sflag:s16] =	ssyncadd.s32 $0xFFFFFF80;
	s24 =	simm.s32 @!p1 $0x0;
	s25 =	simm.s32 @!p1 $0x9E80  }
0xc8: {  	[tilespmem:s25], [sflag:$0x1] =	stream.linear.gather @!p1 [hbm4b:s10+s24], $0x4000, $0x38;
	[tilespmem:$0x1D7C8] =	vst v63  }
0xc9: {  	s24 =	simm.s32 @!p1 $0x1  }
0xca: {  	_ =	swait.ge @!p1 [sflag:s24], $0x4000  }
0xcb: {  	[sflag:s24] =	ssyncset.done @!p1 $0x0  }
0xcc: {  	s26 =	simm.s32 @!p1 $0x80;
	s28 =	simm.s32 @!p1 $0x9C80;
	[sflag:s24] =	ssyncadd.s32 @!p1 $0xFFFFC000  }
0xcd: {  	[spmem:s2] =	stream.indirect.scatter.add.f32 @!p1 [tilespmem:s25], [sflag:$0x1], $0x80, s28, s26, $0xb8;
	[tilespmem:$0x1D7C8] =	vst v63  }
0xce: {  	_ =	swait.ge @!p1 [sflag:s24], $0x4000  }
0xcf: {  	[sflag:s24] =	ssyncset.done @!p1 $0x0  }
0xd0: {  	s25 =	simm.s32 @!p1 $0x1D380;
	[sflag:s24] =	ssyncadd.s32 @!p1 $0xFFFFC000  }
0xd1: {  	[spmem:s3] =	stream.indirect.scatter.add.f32 @!p1 [tilespmem:s25], [sflag:$0x1], $0x1, s28, s26, $0xb8;
	[tilespmem:$0x1D7C8] =	vst v63  }
0xd2: {  	_ =	swait.ge @!p1 [sflag:s24], $0x80  }
0xd3: {  	[sflag:s24] =	ssyncset.done @!p1 $0x0  }
0xd4: {  	s31 =	sshll.u32 s1, $0x6;
	[sflag:s24] =	ssyncadd.s32 @!p1 $0xFFFFFF80  }
0xd5: {  	s24 =	sor.u32 $0x1C01, s31;
	[bflag:$0x0] =	sbarrier.arrive $0xFFFF  }
0xd6: {  	[hbm:s11], [sflag:s24] =	dma.local [spmem:s21], $0x1400  }
0xd7: {  	_ =	swait.ge [sflag:s16], $0x1400  }
0xd8: {  	s23 =	sadd.s32 $0x1, s23;
	[sflag:s16] =	ssyncset.done $0x0  }
0xd9: {  	p3 =	sne.s32 s23, s13;
	[sflag:s16] =	ssyncadd.s32 $0xFFFFEC00  }
0xda: {  	[hbm:s12], [sflag:s24] =	dma.local @!p0 [spmem:s22], $0x50  }
.Ltmp4:
0xdb: {  	_ = 	snop;
	(pc) =	sbr.rel @p3 .LBB2_1-.Ltmp4, $4  }
0xdc: {  	s24 =	simm.s32 @!p0 $0x1  }
0xdd: {  	_ =	swait.ge @!p0 [sflag:s24], $0x50  }
0xde: {  	[sflag:s24] =	ssyncset.done @!p0 $0x0  }
0xdf: {  	[sflag:s24] =	ssyncadd.s32 @!p0 $0xFFFFFFB0  }
0xe0: {  	_ =	sfence.sel $0x180000  }
0xe1: {  	[bflag:$0x0] =	sbarrier.arrive $0xFFFF  }
0xe2: {  	p0 =	sne.s32 s1, $0x0;
	_ =	strace $0x90000047  }
0xe3: {  	s0 =	sadd.s32 @!p0 $0x100000, s0;
	[bflag:$0x2] =	sbarrier.arrive $0xFFFF  }
0xe4: {  	[sflag:s0] =	ssyncadd.tile.s32 @!p0 $0x1;
	_ =	shalt  }
.Lfunc_end2:
_tile_overlayer_lowered:
.L_overlay_start_2:
0xe5: {  	(tag) =	ssettag $0x2  }
0xe6: {  	s0 =	rddreg [dreg:$0x0];
	s2 =	stileid.u32  }
0xe7: {  	s1 =	rddreg [dreg:$0x1];
	p0 =	sne.s32 s2, $0x0  }
0xe8: {  	s3 =	rddreg [dreg:$0x2];
	[bflag:$0x3] =	sbarrier.arrive $0xFFFF;
	s2 =	simm.s32 @!p0 $0x1C01  }
0xe9: {  	[timem:s3], [sflag:s2] =	dma.local @!p0 [hbm:s0], s1  }
0xea: {  	s0 =	simm.s32 @!p0 $0x1  }
0xeb: {  	_ =	swait.ge @!p0 [sflag:s0], s1  }
0xec: {  	s1 =	ssub.s32 @!p0 $0x0, s1;
	[sflag:s0] =	ssyncset.done @!p0 $0x0  }
0xed: {  	[sflag:s0] =	ssyncadd.s32 @!p0 s1  }
0xee: {  	[bflag:$0x3] =	sbarrier.arrive $0xFFFF  }
0xef: {  	_ =	shalt  }

</sc_bundles>
